<compile_context>
chip_gen: v7x
topology: tpu7x:2x2x1
jax: 0.10.2.dev20260603
libtpu: 0.0.44.dev20260713+nightly
codegen_flags: <defaults>
</compile_context>

<pallas_src>
import functools

import jax
import jax.numpy as jnp
from jax import lax
from jax.experimental import pallas as pl
from jax.experimental.pallas import tpu as pltpu
from jax.experimental.pallas import tpu_sc as plsc

B = 16384
CONT_F = 13
CATE_F = 26
COMB_F = 325
CONT_P = 13
CATE_P = 26
COMB_P = 325
H1 = 176

NC = 2
NS = 16
NW = NC * NS
ROWS_PER_W = B // NW
CHUNK = 128
NCHUNK = ROWS_PER_W // CHUNK
NG = CHUNK // 16

_mesh = plsc.VectorSubcoreMesh(core_axis_name="c", subcore_axis_name="s")


@functools.partial(
    pl.kernel,
    mesh=_mesh,
    out_type=jax.ShapeDtypeStruct((B,), jnp.float32),
    scratch_types=[
        pltpu.VMEM((COMB_P, CHUNK), jnp.int32),
        pltpu.VMEM((COMB_F, CHUNK), jnp.float32),
        pltpu.VMEM((CATE_P, CHUNK), jnp.int32),
        pltpu.VMEM((CATE_F, CHUNK), jnp.float32),
        pltpu.VMEM((2 * CONT_P, CHUNK), jnp.float32),
        pltpu.VMEM((CONT_F * 16,), jnp.float32),
        pltpu.VMEM((CHUNK,), jnp.float32),
        pltpu.VMEM((ROWS_PER_W,), jnp.float32),
        pltpu.SemaphoreType.DMA,
        pltpu.SemaphoreType.DMA,
        pltpu.SemaphoreType.DMA,
    ],
)
def _poly2_sc(conts_t, cates_t, combs_t, cate_tab, comb_tab, wbc_hbm,
              out_hbm,
              comb_idx_v, comb_val_v, cate_idx_v, cate_val_v, cont_v,
              w_v, part_v, out_v, sem_a, sem_b, sem_s):
    cid = lax.axis_index("c")
    sid = lax.axis_index("s")
    wid = sid * NC + cid
    base = wid * ROWS_PER_W

    pltpu.sync_copy(wbc_hbm, w_v)

    def stage(c, parity, sync):
        rb = base + c * CHUNK
        copies = [
            (combs_t.at[:, pl.ds(rb, CHUNK)], comb_idx_v),
            (cates_t.at[:, pl.ds(rb, CHUNK)], cate_idx_v),
            (conts_t.at[:, pl.ds(rb, CHUNK)],
             cont_v.at[pl.ds(parity * CONT_P, CONT_P), :]),
        ]
        if sync:
            for src, dst in copies:
                pltpu.sync_copy(src, dst)
        else:
            for src, dst in copies:
                pltpu.async_copy(src, dst, sem_s)

    def stage_drain():
        pltpu.make_async_copy(combs_t.at[:, pl.ds(0, CHUNK)],
                              comb_idx_v, sem_s).wait()
        pltpu.make_async_copy(cates_t.at[:, pl.ds(0, CHUNK)],
                              cate_idx_v, sem_s).wait()
        pltpu.make_async_copy(conts_t.at[:, pl.ds(0, CHUNK)],
                              cont_v.at[pl.ds(0, CONT_P), :], sem_s).wait()

    def fire_h1(sem):
        def body(f, carry):
            pltpu.async_copy(comb_tab.at[comb_idx_v.at[f]],
                             comb_val_v.at[f], sem)
            return carry
        lax.fori_loop(0, H1, body, jnp.int32(0))

    def fire_h2(sem):
        def body(f, carry):
            pltpu.async_copy(comb_tab.at[comb_idx_v.at[f]],
                             comb_val_v.at[f], sem)
            return carry
        lax.fori_loop(H1, COMB_F, body, jnp.int32(0))

        def body_c(f, carry):
            pltpu.async_copy(cate_tab.at[cate_idx_v.at[f]],
                             cate_val_v.at[f], sem)
            return carry
        lax.fori_loop(0, CATE_F, body_c, jnp.int32(0))

    def drain(n_rows, sem):
        def body(f, carry):
            pltpu.make_async_copy(cate_tab.at[pl.ds(0, CHUNK)],
                                  comb_val_v.at[f], sem).wait()
            return carry
        lax.fori_loop(0, n_rows, body, jnp.int32(0))

    def compute_h1():
        def group(bs, carry):
            so = bs * 16

            def body(f, acc):
                return acc + comb_val_v[f, pl.ds(so, 16)]

            acc = lax.fori_loop(0, H1, body, jnp.zeros((16,), jnp.float32))
            part_v[pl.ds(so, 16)] = acc
            return carry
        lax.fori_loop(0, NG, group, jnp.int32(0))

    def compute_h2(c, parity):
        def group(bs, carry):
            so = bs * 16

            def body(f, acc):
                return acc + comb_val_v[f, pl.ds(so, 16)]

            acc = lax.fori_loop(H1, COMB_F, body, part_v[pl.ds(so, 16)])

            def body_c(f, acc):
                return acc + cate_val_v[f, pl.ds(so, 16)]

            acc = lax.fori_loop(0, CATE_F, body_c, acc)

            def body_w(f, acc):
                return acc + (cont_v[parity * CONT_P + f, pl.ds(so, 16)]
                              * w_v[pl.ds(f * 16, 16)])

            acc = lax.fori_loop(0, CONT_F, body_w, acc)

            out_v[pl.ds(c * CHUNK + so, 16)] = 1.0 / (1.0 + jnp.exp(-acc))
            return carry
        lax.fori_loop(0, NG, group, jnp.int32(0))

    stage(0, 0, sync=True)
    fire_h1(sem_a)
    for c in range(NCHUNK):
        parity = c % 2
        fire_h2(sem_b)
        drain(H1, sem_a)
        compute_h1()
        drain(COMB_F - H1 + CATE_F, sem_b)
        if c < NCHUNK - 1:
            stage(c + 1, 1 - parity, sync=False)
            stage_drain()
            fire_h1(sem_a)
        compute_h2(c, parity)

    pltpu.sync_copy(out_v, out_hbm.at[pl.ds(base, ROWS_PER_W)])


def _pad_t(x, fp, dtype):
    f = x.shape[1]
    return jnp.pad(x.astype(dtype), ((0, 0), (0, fp - f))).T


def kernel(conts, cates, combs, cate_table, comb_table):
    wbc = jnp.repeat(cate_table[:CONT_F, 0], 16)
    out = _poly2_sc(_pad_t(conts, CONT_P, jnp.float32),
                    _pad_t(cates, CATE_P, jnp.int32),
                    _pad_t(combs, COMB_P, jnp.int32),
                    cate_table.reshape(-1), comb_table.reshape(-1), wbc)
    return out.reshape(B, 1)

# --- scband reference (transcript-rebuilt; emitter-appended) ---
"""Pipeline reference for scband-poly2-5944234738096 (READ-ONLY COPY).

The authoritative reference and input builder live on the scoring server;
editing this copy changes nothing except your own understanding.
"""

import jax, jax.numpy as jnp
import numpy as np

CONT_FIELD = 13
CATE_FIELD = 26
COMB_FIELD = 325
CATE_CONT_FEATURE = 1000000
COMB_FEATURE = 1000000
BATCH = 16384


def setup_inputs(seed: int = 0) -> dict:
    key = jax.random.key(seed)
    k1, k2, k3, k4, k5 = jax.random.split(key, 5)
    conts = jax.random.uniform(k1, (BATCH, CONT_FIELD), dtype=jnp.float32)
    cates = jax.random.randint(k2, (BATCH, CATE_FIELD), 0, CATE_CONT_FEATURE)
    combs = jax.random.randint(k3, (BATCH, COMB_FIELD), 0, COMB_FEATURE)
    a_cate = float(np.square(3.0 / (CATE_FIELD * 1)))
    cate_table = jax.random.uniform(k4, (CATE_CONT_FEATURE, 1), minval=-a_cate, maxval=a_cate, dtype=jnp.float32)
    a_comb = float(np.square(3.0 / (COMB_FIELD * 1)))
    comb_table = jax.random.uniform(k5, (COMB_FEATURE, 1), minval=-a_comb, maxval=a_comb, dtype=jnp.float32)
    return {"conts": conts, "cates": cates, "combs": combs, "cate_table": cate_table, "comb_table": comb_table}


def reference(conts, cates, combs, cate_table, comb_table):
    batch_size = conts.shape[0]
    # continuous features: fixed indices 0..cont_field-1 into the cate/cont table
    cont_idx = jnp.broadcast_to(jnp.arange(CONT_FIELD), (batch_size, CONT_FIELD))
    cont_embedding = jnp.take(cate_table, cont_idx, axis=0)            # [B, CONT_FIELD, 1]
    cont_embedding = cont_embedding * conts[:, :, None]                # scale by cont values
    cate_embedding = jnp.take(cate_table, cates, axis=0)              # [B, CATE_FIELD, 1]
    cont_cate_embedding = jnp.concatenate([cont_embedding, cate_embedding], axis=1)
    comb_embedding = jnp.take(comb_table, combs, axis=0)              # [B, COMB_FIELD, 1]
    X = jnp.concatenate([cont_cate_embedding.reshape(batch_size, -1), comb_embedding.reshape(batch_size, -1)], axis=1)
    logit = jax.nn.sigmoid(jnp.sum(X, axis=1, keepdims=True))         # [B, 1]
    return logit

if __name__ == "__main__":
    import jax
    _d = setup_inputs()
    print(jax.jit(kernel)(*tuple(_d.values())))

</pallas_src>

<mosaic_0001>
#map = affine_map<(d0, d1) -> (0, 0)>
#map1 = affine_map<(d0, d1) -> (0)>
module attributes {stable_mosaic.version = 14 : i64} {
  func.func @_poly2_sc(%arg0: i32, %arg1: i32, %arg2: memref<13x16384xf32, #tpu.memory_space<hbm>>, %arg3: memref<26x16384xi32, #tpu.memory_space<hbm>>, %arg4: memref<325x16384xi32, #tpu.memory_space<hbm>>, %arg5: memref<1000000xf32, #tpu.memory_space<hbm>>, %arg6: memref<1000000xf32, #tpu.memory_space<hbm>>, %arg7: memref<208xf32, #tpu.memory_space<hbm>>, %arg8: memref<16384xf32, #tpu.memory_space<hbm>>, %arg9: memref<325x128xi32, #tpu.memory_space<vmem>>, %arg10: memref<325x128xf32, #tpu.memory_space<vmem>>, %arg11: memref<26x128xi32, #tpu.memory_space<vmem>>, %arg12: memref<26x128xf32, #tpu.memory_space<vmem>>, %arg13: memref<26x128xf32, #tpu.memory_space<vmem>>, %arg14: memref<208xf32, #tpu.memory_space<vmem>>, %arg15: memref<128xf32, #tpu.memory_space<vmem>>, %arg16: memref<512xf32, #tpu.memory_space<vmem>>, %arg17: memref<!tpu.dma_semaphore, #tpu.memory_space<semaphore_mem>>, %arg18: memref<!tpu.dma_semaphore, #tpu.memory_space<semaphore_mem>>, %arg19: memref<!tpu.dma_semaphore, #tpu.memory_space<semaphore_mem>>) attributes {dimension_semantics = [#tpu.dimension_semantics<core_parallel>, #tpu.dimension_semantics<subcore_parallel>], iteration_bounds = array<i64: 2, 16>, scalar_prefetch = 0 : i64, scratch_operands = 11 : i64, tpu.core_type = #tpu.core_type<sc_vector_subcore>, window_params = [{transform_indices = #map}, {transform_indices = #map}, {transform_indices = #map}, {transform_indices = #map1}, {transform_indices = #map1}, {transform_indices = #map1}, {transform_indices = #map1}]} {
    %mul3A = arith.constant 2 : i32
    %mul3A_0 = arith.muli %arg1, %mul3A : i32
    %add3A = arith.addi %mul3A_0, %arg0 : i32
    %mul3A_1 = arith.constant 512 : i32
    %mul3A_2 = arith.muli %add3A, %mul3A_1 : i32
    "tpu.region"() ({
      %run_scoped3A = tpu.sem_alloc : memref<!tpu.dma_semaphore, #tpu.memory_space<semaphore_mem>>
      tpu.enqueue_dma source(%arg7 : memref<208xf32, #tpu.memory_space<hbm>>) target(%arg14 : memref<208xf32, #tpu.memory_space<vmem>>) target_semaphore(%run_scoped3A : memref<!tpu.dma_semaphore, #tpu.memory_space<semaphore_mem>>)
      tpu.wait_dma2 semaphore(%run_scoped3A : memref<!tpu.dma_semaphore, #tpu.memory_space<semaphore_mem>>) src(%arg7 : memref<208xf32, #tpu.memory_space<hbm>>) dst(%arg14 : memref<208xf32, #tpu.memory_space<vmem>>)
      tpu.yield
    }) : () -> ()
    %add3A_3 = arith.constant 0 : i32
    %add3A_4 = arith.addi %mul3A_2, %add3A_3 : i32
    "tpu.region"() ({
      %run_scoped3A = tpu.sem_alloc : memref<!tpu.dma_semaphore, #tpu.memory_space<semaphore_mem>>
      %dma_start3A_302 = arith.constant 0 : i32
      %dma_start3A_303 = tpu.memref_slice %arg4[%dma_start3A_302, %add3A_4] : memref<325x16384xi32, #tpu.memory_space<hbm>> -> memref<325x128xi32, #tpu.memory_space<hbm>>
      %dma_start3A_304 = arith.constant 0 : i32
      %dma_start3A_305 = tpu.memref_slice %arg4[%dma_start3A_304, %add3A_4] : memref<325x16384xi32, #tpu.memory_space<hbm>> -> memref<325x128xi32, #tpu.memory_space<hbm>>
      tpu.enqueue_dma source(%dma_start3A_305 : memref<325x128xi32, #tpu.memory_space<hbm>>) target(%arg9 : memref<325x128xi32, #tpu.memory_space<vmem>>) target_semaphore(%run_scoped3A : memref<!tpu.dma_semaphore, #tpu.memory_space<semaphore_mem>>)
      %dma_wait3A_306 = arith.constant 0 : i32
      %dma_wait3A_307 = tpu.memref_slice %arg4[%dma_wait3A_306, %add3A_4] : memref<325x16384xi32, #tpu.memory_space<hbm>> -> memref<325x128xi32, #tpu.memory_space<hbm>>
      %dma_wait3A_308 = arith.constant 0 : i32
      %dma_wait3A_309 = tpu.memref_slice %arg4[%dma_wait3A_308, %add3A_4] : memref<325x16384xi32, #tpu.memory_space<hbm>> -> memref<325x128xi32, #tpu.memory_space<hbm>>
      tpu.wait_dma2 semaphore(%run_scoped3A : memref<!tpu.dma_semaphore, #tpu.memory_space<semaphore_mem>>) src(%dma_wait3A_309 : memref<325x128xi32, #tpu.memory_space<hbm>>) dst(%arg9 : memref<325x128xi32, #tpu.memory_space<vmem>>)
      tpu.yield
    }) : () -> ()
    "tpu.region"() ({
      %run_scoped3A = tpu.sem_alloc : memref<!tpu.dma_semaphore, #tpu.memory_space<semaphore_mem>>
      %dma_start3A_302 = arith.constant 0 : i32
      %dma_start3A_303 = tpu.memref_slice %arg3[%dma_start3A_302, %add3A_4] : memref<26x16384xi32, #tpu.memory_space<hbm>> -> memref<26x128xi32, #tpu.memory_space<hbm>>
      %dma_start3A_304 = arith.constant 0 : i32
      %dma_start3A_305 = tpu.memref_slice %arg3[%dma_start3A_304, %add3A_4] : memref<26x16384xi32, #tpu.memory_space<hbm>> -> memref<26x128xi32, #tpu.memory_space<hbm>>
      tpu.enqueue_dma source(%dma_start3A_305 : memref<26x128xi32, #tpu.memory_space<hbm>>) target(%arg11 : memref<26x128xi32, #tpu.memory_space<vmem>>) target_semaphore(%run_scoped3A : memref<!tpu.dma_semaphore, #tpu.memory_space<semaphore_mem>>)
      %dma_wait3A_306 = arith.constant 0 : i32
      %dma_wait3A_307 = tpu.memref_slice %arg3[%dma_wait3A_306, %add3A_4] : memref<26x16384xi32, #tpu.memory_space<hbm>> -> memref<26x128xi32, #tpu.memory_space<hbm>>
      %dma_wait3A_308 = arith.constant 0 : i32
      %dma_wait3A_309 = tpu.memref_slice %arg3[%dma_wait3A_308, %add3A_4] : memref<26x16384xi32, #tpu.memory_space<hbm>> -> memref<26x128xi32, #tpu.memory_space<hbm>>
      tpu.wait_dma2 semaphore(%run_scoped3A : memref<!tpu.dma_semaphore, #tpu.memory_space<semaphore_mem>>) src(%dma_wait3A_309 : memref<26x128xi32, #tpu.memory_space<hbm>>) dst(%arg11 : memref<26x128xi32, #tpu.memory_space<vmem>>)
      tpu.yield
    }) : () -> ()
    "tpu.region"() ({
      %run_scoped3A = tpu.sem_alloc : memref<!tpu.dma_semaphore, #tpu.memory_space<semaphore_mem>>
      %dma_start3A_302 = arith.constant 0 : i32
      %dma_start3A_303 = arith.constant 0 : i32
      %dma_start3A_304 = tpu.memref_slice %arg13[%dma_start3A_302, %dma_start3A_303] : memref<26x128xf32, #tpu.memory_space<vmem>> -> memref<13x128xf32, #tpu.memory_space<vmem>>
      %dma_start3A_305 = arith.constant 0 : i32
      %dma_start3A_306 = tpu.memref_slice %arg2[%dma_start3A_305, %add3A_4] : memref<13x16384xf32, #tpu.memory_space<hbm>> -> memref<13x128xf32, #tpu.memory_space<hbm>>
      %dma_start3A_307 = arith.constant 0 : i32
      %dma_start3A_308 = arith.constant 0 : i32
      %dma_start3A_309 = tpu.memref_slice %arg13[%dma_start3A_307, %dma_start3A_308] : memref<26x128xf32, #tpu.memory_space<vmem>> -> memref<13x128xf32, #tpu.memory_space<vmem>>
      %dma_start3A_310 = arith.constant 0 : i32
      %dma_start3A_311 = tpu.memref_slice %arg2[%dma_start3A_310, %add3A_4] : memref<13x16384xf32, #tpu.memory_space<hbm>> -> memref<13x128xf32, #tpu.memory_space<hbm>>
      tpu.enqueue_dma source(%dma_start3A_311 : memref<13x128xf32, #tpu.memory_space<hbm>>) target(%dma_start3A_309 : memref<13x128xf32, #tpu.memory_space<vmem>>) target_semaphore(%run_scoped3A : memref<!tpu.dma_semaphore, #tpu.memory_space<semaphore_mem>>)
      %dma_wait3A_312 = arith.constant 0 : i32
      %dma_wait3A_313 = arith.constant 0 : i32
      %dma_wait3A_314 = tpu.memref_slice %arg13[%dma_wait3A_312, %dma_wait3A_313] : memref<26x128xf32, #tpu.memory_space<vmem>> -> memref<13x128xf32, #tpu.memory_space<vmem>>
      %dma_wait3A_315 = arith.constant 0 : i32
      %dma_wait3A_316 = tpu.memref_slice %arg2[%dma_wait3A_315, %add3A_4] : memref<13x16384xf32, #tpu.memory_space<hbm>> -> memref<13x128xf32, #tpu.memory_space<hbm>>
      %dma_wait3A_317 = arith.constant 0 : i32
      %dma_wait3A_318 = arith.constant 0 : i32
      %dma_wait3A_319 = tpu.memref_slice %arg13[%dma_wait3A_317, %dma_wait3A_318] : memref<26x128xf32, #tpu.memory_space<vmem>> -> memref<13x128xf32, #tpu.memory_space<vmem>>
      %dma_wait3A_320 = arith.constant 0 : i32
      %dma_wait3A_321 = tpu.memref_slice %arg2[%dma_wait3A_320, %add3A_4] : memref<13x16384xf32, #tpu.memory_space<hbm>> -> memref<13x128xf32, #tpu.memory_space<hbm>>
      tpu.wait_dma2 semaphore(%run_scoped3A : memref<!tpu.dma_semaphore, #tpu.memory_space<semaphore_mem>>) src(%dma_wait3A_321 : memref<13x128xf32, #tpu.memory_space<hbm>>) dst(%dma_wait3A_319 : memref<13x128xf32, #tpu.memory_space<vmem>>)
      tpu.yield
    }) : () -> ()
    %scan3A = arith.constant 0 : i32
    %scan3A_5 = arith.constant 0 : i32
    %scan3A_6 = arith.constant 176 : i32
    %scan3A_7 = arith.addi %scan3A_5, %scan3A_6 : i32
    %scan3A_8 = arith.constant 1 : i32
    scf.for %scan3A_302 = %scan3A_5 to %scan3A_7 step %scan3A_8  : i32 {
      %dma_start3A_303 = arith.constant 0 : i32
      %dma_start3A_304 = tpu.memref_slice %arg10[%scan3A_302, %dma_start3A_303] : memref<325x128xf32, #tpu.memory_space<vmem>> -> memref<1x128xf32, #tpu.memory_space<vmem>>
      %dma_start3A_305 = tpu.memref_squeeze %dma_start3A_304 : memref<1x128xf32, #tpu.memory_space<vmem>> -> memref<128xf32, #tpu.memory_space<vmem>>
      %dma_start3A_306 = arith.constant 0 : i32
      %dma_start3A_307 = tpu.memref_slice %arg9[%scan3A_302, %dma_start3A_306] : memref<325x128xi32, #tpu.memory_space<vmem>> -> memref<1x128xi32, #tpu.memory_space<vmem>>
      %dma_start3A_308 = tpu.memref_squeeze %dma_start3A_307 : memref<1x128xi32, #tpu.memory_space<vmem>> -> memref<128xi32, #tpu.memory_space<vmem>>
      %dma_start3A_309 = arith.constant 0 : i32
      %dma_start3A_310 = tpu.memref_slice %arg6[%dma_start3A_309] : memref<1000000xf32, #tpu.memory_space<hbm>> -> memref<1000000xf32, #tpu.memory_space<hbm>>
      tpu.enqueue_indirect_dma source(%dma_start3A_310 : memref<1000000xf32, #tpu.memory_space<hbm>>) target(%dma_start3A_305 : memref<128xf32, #tpu.memory_space<vmem>>) offsets(%dma_start3A_308 : memref<128xi32, #tpu.memory_space<vmem>>) semaphore(%arg17 : memref<!tpu.dma_semaphore, #tpu.memory_space<semaphore_mem>>)
    }
    %scan3A_9 = arith.constant 176 : i32
    %scan3A_10 = arith.constant 0 : i32
    %scan3A_11 = arith.constant 176 : i32
    %scan3A_12 = arith.constant 149 : i32
    %scan3A_13 = arith.addi %scan3A_11, %scan3A_12 : i32
    %scan3A_14 = arith.constant 1 : i32
    scf.for %scan3A_302 = %scan3A_11 to %scan3A_13 step %scan3A_14  : i32 {
      %dma_start3A_303 = arith.constant 0 : i32
      %dma_start3A_304 = tpu.memref_slice %arg10[%scan3A_302, %dma_start3A_303] : memref<325x128xf32, #tpu.memory_space<vmem>> -> memref<1x128xf32, #tpu.memory_space<vmem>>
      %dma_start3A_305 = tpu.memref_squeeze %dma_start3A_304 : memref<1x128xf32, #tpu.memory_space<vmem>> -> memref<128xf32, #tpu.memory_space<vmem>>
      %dma_start3A_306 = arith.constant 0 : i32
      %dma_start3A_307 = tpu.memref_slice %arg9[%scan3A_302, %dma_start3A_306] : memref<325x128xi32, #tpu.memory_space<vmem>> -> memref<1x128xi32, #tpu.memory_space<vmem>>
      %dma_start3A_308 = tpu.memref_squeeze %dma_start3A_307 : memref<1x128xi32, #tpu.memory_space<vmem>> -> memref<128xi32, #tpu.memory_space<vmem>>
      %dma_start3A_309 = arith.constant 0 : i32
      %dma_start3A_310 = tpu.memref_slice %arg6[%dma_start3A_309] : memref<1000000xf32, #tpu.memory_space<hbm>> -> memref<1000000xf32, #tpu.memory_space<hbm>>
      tpu.enqueue_indirect_dma source(%dma_start3A_310 : memref<1000000xf32, #tpu.memory_space<hbm>>) target(%dma_start3A_305 : memref<128xf32, #tpu.memory_space<vmem>>) offsets(%dma_start3A_308 : memref<128xi32, #tpu.memory_space<vmem>>) semaphore(%arg18 : memref<!tpu.dma_semaphore, #tpu.memory_space<semaphore_mem>>)
    }
    %scan3A_15 = arith.constant 149 : i32
    %scan3A_16 = arith.constant 0 : i32
    %scan3A_17 = arith.constant 0 : i32
    %scan3A_18 = arith.constant 26 : i32
    %scan3A_19 = arith.addi %scan3A_17, %scan3A_18 : i32
    %scan3A_20 = arith.constant 1 : i32
    scf.for %scan3A_302 = %scan3A_17 to %scan3A_19 step %scan3A_20  : i32 {
      %dma_start3A_303 = arith.constant 0 : i32
      %dma_start3A_304 = tpu.memref_slice %arg12[%scan3A_302, %dma_start3A_303] : memref<26x128xf32, #tpu.memory_space<vmem>> -> memref<1x128xf32, #tpu.memory_space<vmem>>
      %dma_start3A_305 = tpu.memref_squeeze %dma_start3A_304 : memref<1x128xf32, #tpu.memory_space<vmem>> -> memref<128xf32, #tpu.memory_space<vmem>>
      %dma_start3A_306 = arith.constant 0 : i32
      %dma_start3A_307 = tpu.memref_slice %arg11[%scan3A_302, %dma_start3A_306] : memref<26x128xi32, #tpu.memory_space<vmem>> -> memref<1x128xi32, #tpu.memory_space<vmem>>
      %dma_start3A_308 = tpu.memref_squeeze %dma_start3A_307 : memref<1x128xi32, #tpu.memory_space<vmem>> -> memref<128xi32, #tpu.memory_space<vmem>>
      %dma_start3A_309 = arith.constant 0 : i32
      %dma_start3A_310 = tpu.memref_slice %arg5[%dma_start3A_309] : memref<1000000xf32, #tpu.memory_space<hbm>> -> memref<1000000xf32, #tpu.memory_space<hbm>>
      tpu.enqueue_indirect_dma source(%dma_start3A_310 : memref<1000000xf32, #tpu.memory_space<hbm>>) target(%dma_start3A_305 : memref<128xf32, #tpu.memory_space<vmem>>) offsets(%dma_start3A_308 : memref<128xi32, #tpu.memory_space<vmem>>) semaphore(%arg18 : memref<!tpu.dma_semaphore, #tpu.memory_space<semaphore_mem>>)
    }
    %scan3A_21 = arith.constant 26 : i32
    %scan3A_22 = arith.constant 0 : i32
    %scan3A_23 = arith.constant 0 : i32
    %scan3A_24 = arith.constant 176 : i32
    %scan3A_25 = arith.addi %scan3A_23, %scan3A_24 : i32
    %scan3A_26 = arith.constant 1 : i32
    scf.for %scan3A_302 = %scan3A_23 to %scan3A_25 step %scan3A_26  : i32 {
      %dma_wait3A_303 = arith.constant 0 : i32
      %dma_wait3A_304 = tpu.memref_slice %arg10[%scan3A_302, %dma_wait3A_303] : memref<325x128xf32, #tpu.memory_space<vmem>> -> memref<1x128xf32, #tpu.memory_space<vmem>>
      %dma_wait3A_305 = tpu.memref_squeeze %dma_wait3A_304 : memref<1x128xf32, #tpu.memory_space<vmem>> -> memref<128xf32, #tpu.memory_space<vmem>>
      %dma_wait3A_306 = arith.constant 0 : i32
      %dma_wait3A_307 = tpu.memref_slice %arg5[%dma_wait3A_306] : memref<1000000xf32, #tpu.memory_space<hbm>> -> memref<128xf32, #tpu.memory_space<hbm>>
      %dma_wait3A_308 = arith.constant 0 : i32
      %dma_wait3A_309 = tpu.memref_slice %arg10[%scan3A_302, %dma_wait3A_308] : memref<325x128xf32, #tpu.memory_space<vmem>> -> memref<1x128xf32, #tpu.memory_space<vmem>>
      %dma_wait3A_310 = tpu.memref_squeeze %dma_wait3A_309 : memref<1x128xf32, #tpu.memory_space<vmem>> -> memref<128xf32, #tpu.memory_space<vmem>>
      %dma_wait3A_311 = arith.constant 0 : i32
      %dma_wait3A_312 = tpu.memref_slice %arg5[%dma_wait3A_311] : memref<1000000xf32, #tpu.memory_space<hbm>> -> memref<128xf32, #tpu.memory_space<hbm>>
      tpu.wait_dma2 semaphore(%arg17 : memref<!tpu.dma_semaphore, #tpu.memory_space<semaphore_mem>>) src(%dma_wait3A_312 : memref<128xf32, #tpu.memory_space<hbm>>) dst(%dma_wait3A_310 : memref<128xf32, #tpu.memory_space<vmem>>)
    }
    %scan3A_27 = arith.constant 176 : i32
    %scan3A_28 = arith.constant 0 : i32
    %scan3A_29 = arith.constant 0 : i32
    %scan3A_30 = arith.constant 8 : i32
    %scan3A_31 = arith.addi %scan3A_29, %scan3A_30 : i32
    %scan3A_32 = arith.constant 1 : i32
    scf.for %scan3A_302 = %scan3A_29 to %scan3A_31 step %scan3A_32  : i32 {
      %mul3A_303 = arith.constant 16 : i32
      %mul3A_304 = arith.muli %scan3A_302, %mul3A_303 : i32
      %broadcast_in_dim3A = arith.constant 0.000000e+00 : f32
      %broadcast_in_dim3A_305 = vector.broadcast %broadcast_in_dim3A : f32 to vector<16xf32>
      %scan3A_306 = arith.constant 0 : i32
      %scan3A_307 = arith.constant 176 : i32
      %scan3A_308 = arith.addi %scan3A_306, %scan3A_307 : i32
      %scan3A_309 = arith.constant 1 : i32
      %scan3A_310 = scf.for %scan3A_315 = %scan3A_306 to %scan3A_308 step %scan3A_309 iter_args(%scan3A_316 = %broadcast_in_dim3A_305) -> (vector<16xf32>)  : i32 {
        %get3A = arith.index_cast %scan3A_315 : i32 to index
        %get3A_317 = arith.index_cast %mul3A_304 : i32 to index
        %get3A_318 = tpu.vector_load %arg10[%get3A, %get3A_317] {strides = array<i32>} : memref<325x128xf32, #tpu.memory_space<vmem>>, vector<1x16xf32>,
        %get3A_319 = vector.shape_cast %get3A_318 : vector<1x16xf32> to vector<16xf32>
        %add3A_320 = arith.addf %scan3A_316, %get3A_319 : vector<16xf32>
        scf.yield %add3A_320 : vector<16xf32>
      }
      %scan3A_311 = arith.constant 176 : i32
      %swap3A = arith.index_cast %mul3A_304 : i32 to index
      %swap3A_312 = tpu.vector_load %arg15[%swap3A] {strides = array<i32>} : memref<128xf32, #tpu.memory_space<vmem>>, vector<16xf32>,
      %swap3A_313 = vector.shape_cast %swap3A_312 : vector<16xf32> to vector<16xf32>
      %swap3A_314 = vector.shape_cast %scan3A_310 : vector<16xf32> to vector<16xf32>
      tpu.vector_store %arg15[%swap3A], %swap3A_314 {strides = array<i32>} : memref<128xf32, #tpu.memory_space<vmem>>, vector<16xf32>,
    }
    %scan3A_33 = arith.constant 8 : i32
    %scan3A_34 = arith.constant 0 : i32
    %scan3A_35 = arith.constant 0 : i32
    %scan3A_36 = arith.constant 175 : i32
    %scan3A_37 = arith.addi %scan3A_35, %scan3A_36 : i32
    %scan3A_38 = arith.constant 1 : i32
    scf.for %scan3A_302 = %scan3A_35 to %scan3A_37 step %scan3A_38  : i32 {
      %dma_wait3A_303 = arith.constant 0 : i32
      %dma_wait3A_304 = tpu.memref_slice %arg10[%scan3A_302, %dma_wait3A_303] : memref<325x128xf32, #tpu.memory_space<vmem>> -> memref<1x128xf32, #tpu.memory_space<vmem>>
      %dma_wait3A_305 = tpu.memref_squeeze %dma_wait3A_304 : memref<1x128xf32, #tpu.memory_space<vmem>> -> memref<128xf32, #tpu.memory_space<vmem>>
      %dma_wait3A_306 = arith.constant 0 : i32
      %dma_wait3A_307 = tpu.memref_slice %arg5[%dma_wait3A_306] : memref<1000000xf32, #tpu.memory_space<hbm>> -> memref<128xf32, #tpu.memory_space<hbm>>
      %dma_wait3A_308 = arith.constant 0 : i32
      %dma_wait3A_309 = tpu.memref_slice %arg10[%scan3A_302, %dma_wait3A_308] : memref<325x128xf32, #tpu.memory_space<vmem>> -> memref<1x128xf32, #tpu.memory_space<vmem>>
      %dma_wait3A_310 = tpu.memref_squeeze %dma_wait3A_309 : memref<1x128xf32, #tpu.memory_space<vmem>> -> memref<128xf32, #tpu.memory_space<vmem>>
      %dma_wait3A_311 = arith.constant 0 : i32
      %dma_wait3A_312 = tpu.memref_slice %arg5[%dma_wait3A_311] : memref<1000000xf32, #tpu.memory_space<hbm>> -> memref<128xf32, #tpu.memory_space<hbm>>
      tpu.wait_dma2 semaphore(%arg18 : memref<!tpu.dma_semaphore, #tpu.memory_space<semaphore_mem>>) src(%dma_wait3A_312 : memref<128xf32, #tpu.memory_space<hbm>>) dst(%dma_wait3A_310 : memref<128xf32, #tpu.memory_space<vmem>>)
    }
    %scan3A_39 = arith.constant 175 : i32
    %add3A_40 = arith.constant 128 : i32
    %add3A_41 = arith.addi %mul3A_2, %add3A_40 : i32
    %dma_start3A = arith.constant 0 : i32
    %dma_start3A_42 = tpu.memref_slice %arg4[%dma_start3A, %add3A_41] : memref<325x16384xi32, #tpu.memory_space<hbm>> -> memref<325x128xi32, #tpu.memory_space<hbm>>
    %dma_start3A_43 = arith.constant 0 : i32
    %dma_start3A_44 = tpu.memref_slice %arg4[%dma_start3A_43, %add3A_41] : memref<325x16384xi32, #tpu.memory_space<hbm>> -> memref<325x128xi32, #tpu.memory_space<hbm>>
    tpu.enqueue_dma source(%dma_start3A_44 : memref<325x128xi32, #tpu.memory_space<hbm>>) target(%arg9 : memref<325x128xi32, #tpu.memory_space<vmem>>) target_semaphore(%arg19 : memref<!tpu.dma_semaphore, #tpu.memory_space<semaphore_mem>>)
    %dma_start3A_45 = arith.constant 0 : i32
    %dma_start3A_46 = tpu.memref_slice %arg3[%dma_start3A_45, %add3A_41] : memref<26x16384xi32, #tpu.memory_space<hbm>> -> memref<26x128xi32, #tpu.memory_space<hbm>>
    %dma_start3A_47 = arith.constant 0 : i32
    %dma_start3A_48 = tpu.memref_slice %arg3[%dma_start3A_47, %add3A_41] : memref<26x16384xi32, #tpu.memory_space<hbm>> -> memref<26x128xi32, #tpu.memory_space<hbm>>
    tpu.enqueue_dma source(%dma_start3A_48 : memref<26x128xi32, #tpu.memory_space<hbm>>) target(%arg11 : memref<26x128xi32, #tpu.memory_space<vmem>>) target_semaphore(%arg19 : memref<!tpu.dma_semaphore, #tpu.memory_space<semaphore_mem>>)
    %dma_start3A_49 = arith.constant 13 : i32
    %dma_start3A_50 = arith.constant 0 : i32
    %dma_start3A_51 = tpu.memref_slice %arg13[%dma_start3A_49, %dma_start3A_50] : memref<26x128xf32, #tpu.memory_space<vmem>> -> memref<13x128xf32, #tpu.memory_space<vmem>>
    %dma_start3A_52 = arith.constant 0 : i32
    %dma_start3A_53 = tpu.memref_slice %arg2[%dma_start3A_52, %add3A_41] : memref<13x16384xf32, #tpu.memory_space<hbm>> -> memref<13x128xf32, #tpu.memory_space<hbm>>
    %dma_start3A_54 = arith.constant 13 : i32
    %dma_start3A_55 = arith.constant 0 : i32
    %dma_start3A_56 = tpu.memref_slice %arg13[%dma_start3A_54, %dma_start3A_55] : memref<26x128xf32, #tpu.memory_space<vmem>> -> memref<13x128xf32, #tpu.memory_space<vmem>>
    %dma_start3A_57 = arith.constant 0 : i32
    %dma_start3A_58 = tpu.memref_slice %arg2[%dma_start3A_57, %add3A_41] : memref<13x16384xf32, #tpu.memory_space<hbm>> -> memref<13x128xf32, #tpu.memory_space<hbm>>
    tpu.enqueue_dma source(%dma_start3A_58 : memref<13x128xf32, #tpu.memory_space<hbm>>) target(%dma_start3A_56 : memref<13x128xf32, #tpu.memory_space<vmem>>) target_semaphore(%arg19 : memref<!tpu.dma_semaphore, #tpu.memory_space<semaphore_mem>>)
    %dma_wait3A = arith.constant 0 : i32
    %dma_wait3A_59 = arith.constant 0 : i32
    %dma_wait3A_60 = tpu.memref_slice %arg4[%dma_wait3A, %dma_wait3A_59] : memref<325x16384xi32, #tpu.memory_space<hbm>> -> memref<325x128xi32, #tpu.memory_space<hbm>>
    %dma_wait3A_61 = arith.constant 0 : i32
    %dma_wait3A_62 = arith.constant 0 : i32
    %dma_wait3A_63 = tpu.memref_slice %arg4[%dma_wait3A_61, %dma_wait3A_62] : memref<325x16384xi32, #tpu.memory_space<hbm>> -> memref<325x128xi32, #tpu.memory_space<hbm>>
    tpu.wait_dma2 semaphore(%arg19 : memref<!tpu.dma_semaphore, #tpu.memory_space<semaphore_mem>>) src(%dma_wait3A_63 : memref<325x128xi32, #tpu.memory_space<hbm>>) dst(%arg9 : memref<325x128xi32, #tpu.memory_space<vmem>>)
    %dma_wait3A_64 = arith.constant 0 : i32
    %dma_wait3A_65 = arith.constant 0 : i32
    %dma_wait3A_66 = tpu.memref_slice %arg3[%dma_wait3A_64, %dma_wait3A_65] : memref<26x16384xi32, #tpu.memory_space<hbm>> -> memref<26x128xi32, #tpu.memory_space<hbm>>
    %dma_wait3A_67 = arith.constant 0 : i32
    %dma_wait3A_68 = arith.constant 0 : i32
    %dma_wait3A_69 = tpu.memref_slice %arg3[%dma_wait3A_67, %dma_wait3A_68] : memref<26x16384xi32, #tpu.memory_space<hbm>> -> memref<26x128xi32, #tpu.memory_space<hbm>>
    tpu.wait_dma2 semaphore(%arg19 : memref<!tpu.dma_semaphore, #tpu.memory_space<semaphore_mem>>) src(%dma_wait3A_69 : memref<26x128xi32, #tpu.memory_space<hbm>>) dst(%arg11 : memref<26x128xi32, #tpu.memory_space<vmem>>)
    %dma_wait3A_70 = arith.constant 0 : i32
    %dma_wait3A_71 = arith.constant 0 : i32
    %dma_wait3A_72 = tpu.memref_slice %arg13[%dma_wait3A_70, %dma_wait3A_71] : memref<26x128xf32, #tpu.memory_space<vmem>> -> memref<13x128xf32, #tpu.memory_space<vmem>>
    %dma_wait3A_73 = arith.constant 0 : i32
    %dma_wait3A_74 = arith.constant 0 : i32
    %dma_wait3A_75 = tpu.memref_slice %arg2[%dma_wait3A_73, %dma_wait3A_74] : memref<13x16384xf32, #tpu.memory_space<hbm>> -> memref<13x128xf32, #tpu.memory_space<hbm>>
    %dma_wait3A_76 = arith.constant 0 : i32
    %dma_wait3A_77 = arith.constant 0 : i32
    %dma_wait3A_78 = tpu.memref_slice %arg13[%dma_wait3A_76, %dma_wait3A_77] : memref<26x128xf32, #tpu.memory_space<vmem>> -> memref<13x128xf32, #tpu.memory_space<vmem>>
    %dma_wait3A_79 = arith.constant 0 : i32
    %dma_wait3A_80 = arith.constant 0 : i32
    %dma_wait3A_81 = tpu.memref_slice %arg2[%dma_wait3A_79, %dma_wait3A_80] : memref<13x16384xf32, #tpu.memory_space<hbm>> -> memref<13x128xf32, #tpu.memory_space<hbm>>
    tpu.wait_dma2 semaphore(%arg19 : memref<!tpu.dma_semaphore, #tpu.memory_space<semaphore_mem>>) src(%dma_wait3A_81 : memref<13x128xf32, #tpu.memory_space<hbm>>) dst(%dma_wait3A_78 : memref<13x128xf32, #tpu.memory_space<vmem>>)
    %scan3A_82 = arith.constant 0 : i32
    %scan3A_83 = arith.constant 0 : i32
    %scan3A_84 = arith.constant 176 : i32
    %scan3A_85 = arith.addi %scan3A_83, %scan3A_84 : i32
    %scan3A_86 = arith.constant 1 : i32
    scf.for %scan3A_302 = %scan3A_83 to %scan3A_85 step %scan3A_86  : i32 {
      %dma_start3A_303 = arith.constant 0 : i32
      %dma_start3A_304 = tpu.memref_slice %arg10[%scan3A_302, %dma_start3A_303] : memref<325x128xf32, #tpu.memory_space<vmem>> -> memref<1x128xf32, #tpu.memory_space<vmem>>
      %dma_start3A_305 = tpu.memref_squeeze %dma_start3A_304 : memref<1x128xf32, #tpu.memory_space<vmem>> -> memref<128xf32, #tpu.memory_space<vmem>>
      %dma_start3A_306 = arith.constant 0 : i32
      %dma_start3A_307 = tpu.memref_slice %arg9[%scan3A_302, %dma_start3A_306] : memref<325x128xi32, #tpu.memory_space<vmem>> -> memref<1x128xi32, #tpu.memory_space<vmem>>
      %dma_start3A_308 = tpu.memref_squeeze %dma_start3A_307 : memref<1x128xi32, #tpu.memory_space<vmem>> -> memref<128xi32, #tpu.memory_space<vmem>>
      %dma_start3A_309 = arith.constant 0 : i32
      %dma_start3A_310 = tpu.memref_slice %arg6[%dma_start3A_309] : memref<1000000xf32, #tpu.memory_space<hbm>> -> memref<1000000xf32, #tpu.memory_space<hbm>>
      tpu.enqueue_indirect_dma source(%dma_start3A_310 : memref<1000000xf32, #tpu.memory_space<hbm>>) target(%dma_start3A_305 : memref<128xf32, #tpu.memory_space<vmem>>) offsets(%dma_start3A_308 : memref<128xi32, #tpu.memory_space<vmem>>) semaphore(%arg17 : memref<!tpu.dma_semaphore, #tpu.memory_space<semaphore_mem>>)
    }
    %scan3A_87 = arith.constant 176 : i32
    %scan3A_88 = arith.constant 0 : i32
    %scan3A_89 = arith.constant 0 : i32
    %scan3A_90 = arith.constant 8 : i32
    %scan3A_91 = arith.addi %scan3A_89, %scan3A_90 : i32
    %scan3A_92 = arith.constant 1 : i32
    scf.for %scan3A_302 = %scan3A_89 to %scan3A_91 step %scan3A_92  : i32 {
      %mul3A_303 = arith.constant 16 : i32
      %mul3A_304 = arith.muli %scan3A_302, %mul3A_303 : i32
      %get3A = arith.index_cast %mul3A_304 : i32 to index
      %get3A_305 = tpu.vector_load %arg15[%get3A] {strides = array<i32>} : memref<128xf32, #tpu.memory_space<vmem>>, vector<16xf32>,
      %get3A_306 = vector.shape_cast %get3A_305 : vector<16xf32> to vector<16xf32>
      %scan3A_307 = arith.constant 176 : i32
      %scan3A_308 = arith.constant 149 : i32
      %scan3A_309 = arith.addi %scan3A_307, %scan3A_308 : i32
      %scan3A_310 = arith.constant 1 : i32
      %scan3A_311 = scf.for %scan3A_337 = %scan3A_307 to %scan3A_309 step %scan3A_310 iter_args(%scan3A_338 = %get3A_306) -> (vector<16xf32>)  : i32 {
        %get3A_339 = arith.index_cast %scan3A_337 : i32 to index
        %get3A_340 = arith.index_cast %mul3A_304 : i32 to index
        %get3A_341 = tpu.vector_load %arg10[%get3A_339, %get3A_340] {strides = array<i32>} : memref<325x128xf32, #tpu.memory_space<vmem>>, vector<1x16xf32>,
        %get3A_342 = vector.shape_cast %get3A_341 : vector<1x16xf32> to vector<16xf32>
        %add3A_343 = arith.addf %scan3A_338, %get3A_342 : vector<16xf32>
        scf.yield %add3A_343 : vector<16xf32>
      }
      %scan3A_312 = arith.constant 149 : i32
      %scan3A_313 = arith.constant 0 : i32
      %scan3A_314 = arith.constant 26 : i32
      %scan3A_315 = arith.addi %scan3A_313, %scan3A_314 : i32
      %scan3A_316 = arith.constant 1 : i32
      %scan3A_317 = scf.for %scan3A_337 = %scan3A_313 to %scan3A_315 step %scan3A_316 iter_args(%scan3A_338 = %scan3A_311) -> (vector<16xf32>)  : i32 {
        %get3A_339 = arith.index_cast %scan3A_337 : i32 to index
        %get3A_340 = arith.index_cast %mul3A_304 : i32 to index
        %get3A_341 = tpu.vector_load %arg12[%get3A_339, %get3A_340] {strides = array<i32>} : memref<26x128xf32, #tpu.memory_space<vmem>>, vector<1x16xf32>,
        %get3A_342 = vector.shape_cast %get3A_341 : vector<1x16xf32> to vector<16xf32>
        %add3A_343 = arith.addf %scan3A_338, %get3A_342 : vector<16xf32>
        scf.yield %add3A_343 : vector<16xf32>
      }
      %scan3A_318 = arith.constant 26 : i32
      %scan3A_319 = arith.constant 0 : i32
      %scan3A_320 = arith.constant 13 : i32
      %scan3A_321 = arith.addi %scan3A_319, %scan3A_320 : i32
      %scan3A_322 = arith.constant 1 : i32
      %scan3A_323 = scf.for %scan3A_337 = %scan3A_319 to %scan3A_321 step %scan3A_322 iter_args(%scan3A_338 = %scan3A_317) -> (vector<16xf32>)  : i32 {
        %add3A_339 = arith.constant 0 : i32
        %add3A_340 = arith.addi %add3A_339, %scan3A_337 : i32
        %get3A_341 = arith.index_cast %add3A_340 : i32 to index
        %get3A_342 = arith.index_cast %mul3A_304 : i32 to index
        %get3A_343 = tpu.vector_load %arg13[%get3A_341, %get3A_342] {strides = array<i32>} : memref<26x128xf32, #tpu.memory_space<vmem>>, vector<1x16xf32>,
        %get3A_344 = vector.shape_cast %get3A_343 : vector<1x16xf32> to vector<16xf32>
        %mul3A_345 = arith.constant 16 : i32
        %mul3A_346 = arith.muli %scan3A_337, %mul3A_345 : i32
        %get3A_347 = arith.index_cast %mul3A_346 : i32 to index
        %get3A_348 = tpu.vector_load %arg14[%get3A_347] {strides = array<i32>} : memref<208xf32, #tpu.memory_space<vmem>>, vector<16xf32>,
        %get3A_349 = vector.shape_cast %get3A_348 : vector<16xf32> to vector<16xf32>
        %mul3A_350 = arith.mulf %get3A_344, %get3A_349 : vector<16xf32>
        %add3A_351 = arith.addf %scan3A_338, %mul3A_350 : vector<16xf32>
        scf.yield %add3A_351 : vector<16xf32>
      }
      %scan3A_324 = arith.constant 13 : i32
      %neg3A = arith.constant 0.000000e+00 : f32
      %neg3A_325 = vector.broadcast %neg3A : f32 to vector<16xf32>
      %neg3A_326 = arith.subf %neg3A_325, %scan3A_323 : vector<16xf32>
      %exp3A = math.exp %neg3A_326 : vector<16xf32>
      %add3A_327 = arith.constant 1.000000e+00 : f32
      %add3A_328 = vector.broadcast %add3A_327 : f32 to vector<16xf32>
      %add3A_329 = arith.addf %add3A_328, %exp3A : vector<16xf32>
      %div3A = arith.constant 1.000000e+00 : f32
      %div3A_330 = vector.broadcast %div3A : f32 to vector<16xf32>
      %div3A_331 = arith.divf %div3A_330, %add3A_329 : vector<16xf32>
      %add3A_332 = arith.constant 0 : i32
      %add3A_333 = arith.addi %add3A_332, %mul3A_304 : i32
      %swap3A = arith.index_cast %add3A_333 : i32 to index
      %swap3A_334 = tpu.vector_load %arg16[%swap3A] {strides = array<i32>} : memref<512xf32, #tpu.memory_space<vmem>>, vector<16xf32>,
      %swap3A_335 = vector.shape_cast %swap3A_334 : vector<16xf32> to vector<16xf32>
      %swap3A_336 = vector.shape_cast %div3A_331 : vector<16xf32> to vector<16xf32>
      tpu.vector_store %arg16[%swap3A], %swap3A_336 {strides = array<i32>} : memref<512xf32, #tpu.memory_space<vmem>>, vector<16xf32>,
    }
    %scan3A_93 = arith.constant 8 : i32
    %scan3A_94 = arith.constant 0 : i32
    %scan3A_95 = arith.constant 176 : i32
    %scan3A_96 = arith.constant 149 : i32
    %scan3A_97 = arith.addi %scan3A_95, %scan3A_96 : i32
    %scan3A_98 = arith.constant 1 : i32
    scf.for %scan3A_302 = %scan3A_95 to %scan3A_97 step %scan3A_98  : i32 {
      %dma_start3A_303 = arith.constant 0 : i32
      %dma_start3A_304 = tpu.memref_slice %arg10[%scan3A_302, %dma_start3A_303] : memref<325x128xf32, #tpu.memory_space<vmem>> -> memref<1x128xf32, #tpu.memory_space<vmem>>
      %dma_start3A_305 = tpu.memref_squeeze %dma_start3A_304 : memref<1x128xf32, #tpu.memory_space<vmem>> -> memref<128xf32, #tpu.memory_space<vmem>>
      %dma_start3A_306 = arith.constant 0 : i32
      %dma_start3A_307 = tpu.memref_slice %arg9[%scan3A_302, %dma_start3A_306] : memref<325x128xi32, #tpu.memory_space<vmem>> -> memref<1x128xi32, #tpu.memory_space<vmem>>
      %dma_start3A_308 = tpu.memref_squeeze %dma_start3A_307 : memref<1x128xi32, #tpu.memory_space<vmem>> -> memref<128xi32, #tpu.memory_space<vmem>>
      %dma_start3A_309 = arith.constant 0 : i32
      %dma_start3A_310 = tpu.memref_slice %arg6[%dma_start3A_309] : memref<1000000xf32, #tpu.memory_space<hbm>> -> memref<1000000xf32, #tpu.memory_space<hbm>>
      tpu.enqueue_indirect_dma source(%dma_start3A_310 : memref<1000000xf32, #tpu.memory_space<hbm>>) target(%dma_start3A_305 : memref<128xf32, #tpu.memory_space<vmem>>) offsets(%dma_start3A_308 : memref<128xi32, #tpu.memory_space<vmem>>) semaphore(%arg18 : memref<!tpu.dma_semaphore, #tpu.memory_space<semaphore_mem>>)
    }
    %scan3A_99 = arith.constant 149 : i32
    %scan3A_100 = arith.constant 0 : i32
    %scan3A_101 = arith.constant 0 : i32
    %scan3A_102 = arith.constant 26 : i32
    %scan3A_103 = arith.addi %scan3A_101, %scan3A_102 : i32
    %scan3A_104 = arith.constant 1 : i32
    scf.for %scan3A_302 = %scan3A_101 to %scan3A_103 step %scan3A_104  : i32 {
      %dma_start3A_303 = arith.constant 0 : i32
      %dma_start3A_304 = tpu.memref_slice %arg12[%scan3A_302, %dma_start3A_303] : memref<26x128xf32, #tpu.memory_space<vmem>> -> memref<1x128xf32, #tpu.memory_space<vmem>>
      %dma_start3A_305 = tpu.memref_squeeze %dma_start3A_304 : memref<1x128xf32, #tpu.memory_space<vmem>> -> memref<128xf32, #tpu.memory_space<vmem>>
      %dma_start3A_306 = arith.constant 0 : i32
      %dma_start3A_307 = tpu.memref_slice %arg11[%scan3A_302, %dma_start3A_306] : memref<26x128xi32, #tpu.memory_space<vmem>> -> memref<1x128xi32, #tpu.memory_space<vmem>>
      %dma_start3A_308 = tpu.memref_squeeze %dma_start3A_307 : memref<1x128xi32, #tpu.memory_space<vmem>> -> memref<128xi32, #tpu.memory_space<vmem>>
      %dma_start3A_309 = arith.constant 0 : i32
      %dma_start3A_310 = tpu.memref_slice %arg5[%dma_start3A_309] : memref<1000000xf32, #tpu.memory_space<hbm>> -> memref<1000000xf32, #tpu.memory_space<hbm>>
      tpu.enqueue_indirect_dma source(%dma_start3A_310 : memref<1000000xf32, #tpu.memory_space<hbm>>) target(%dma_start3A_305 : memref<128xf32, #tpu.memory_space<vmem>>) offsets(%dma_start3A_308 : memref<128xi32, #tpu.memory_space<vmem>>) semaphore(%arg18 : memref<!tpu.dma_semaphore, #tpu.memory_space<semaphore_mem>>)
    }
    %scan3A_105 = arith.constant 26 : i32
    %scan3A_106 = arith.constant 0 : i32
    %scan3A_107 = arith.constant 0 : i32
    %scan3A_108 = arith.constant 176 : i32
    %scan3A_109 = arith.addi %scan3A_107, %scan3A_108 : i32
    %scan3A_110 = arith.constant 1 : i32
    scf.for %scan3A_302 = %scan3A_107 to %scan3A_109 step %scan3A_110  : i32 {
      %dma_wait3A_303 = arith.constant 0 : i32
      %dma_wait3A_304 = tpu.memref_slice %arg10[%scan3A_302, %dma_wait3A_303] : memref<325x128xf32, #tpu.memory_space<vmem>> -> memref<1x128xf32, #tpu.memory_space<vmem>>
      %dma_wait3A_305 = tpu.memref_squeeze %dma_wait3A_304 : memref<1x128xf32, #tpu.memory_space<vmem>> -> memref<128xf32, #tpu.memory_space<vmem>>
      %dma_wait3A_306 = arith.constant 0 : i32
      %dma_wait3A_307 = tpu.memref_slice %arg5[%dma_wait3A_306] : memref<1000000xf32, #tpu.memory_space<hbm>> -> memref<128xf32, #tpu.memory_space<hbm>>
      %dma_wait3A_308 = arith.constant 0 : i32
      %dma_wait3A_309 = tpu.memref_slice %arg10[%scan3A_302, %dma_wait3A_308] : memref<325x128xf32, #tpu.memory_space<vmem>> -> memref<1x128xf32, #tpu.memory_space<vmem>>
      %dma_wait3A_310 = tpu.memref_squeeze %dma_wait3A_309 : memref<1x128xf32, #tpu.memory_space<vmem>> -> memref<128xf32, #tpu.memory_space<vmem>>
      %dma_wait3A_311 = arith.constant 0 : i32
      %dma_wait3A_312 = tpu.memref_slice %arg5[%dma_wait3A_311] : memref<1000000xf32, #tpu.memory_space<hbm>> -> memref<128xf32, #tpu.memory_space<hbm>>
      tpu.wait_dma2 semaphore(%arg17 : memref<!tpu.dma_semaphore, #tpu.memory_space<semaphore_mem>>) src(%dma_wait3A_312 : memref<128xf32, #tpu.memory_space<hbm>>) dst(%dma_wait3A_310 : memref<128xf32, #tpu.memory_space<vmem>>)
    }
    %scan3A_111 = arith.constant 176 : i32
    %scan3A_112 = arith.constant 0 : i32
    %scan3A_113 = arith.constant 0 : i32
    %scan3A_114 = arith.constant 8 : i32
    %scan3A_115 = arith.addi %scan3A_113, %scan3A_114 : i32
    %scan3A_116 = arith.constant 1 : i32
    scf.for %scan3A_302 = %scan3A_113 to %scan3A_115 step %scan3A_116  : i32 {
      %mul3A_303 = arith.constant 16 : i32
      %mul3A_304 = arith.muli %scan3A_302, %mul3A_303 : i32
      %broadcast_in_dim3A = arith.constant 0.000000e+00 : f32
      %broadcast_in_dim3A_305 = vector.broadcast %broadcast_in_dim3A : f32 to vector<16xf32>
      %scan3A_306 = arith.constant 0 : i32
      %scan3A_307 = arith.constant 176 : i32
      %scan3A_308 = arith.addi %scan3A_306, %scan3A_307 : i32
      %scan3A_309 = arith.constant 1 : i32
      %scan3A_310 = scf.for %scan3A_315 = %scan3A_306 to %scan3A_308 step %scan3A_309 iter_args(%scan3A_316 = %broadcast_in_dim3A_305) -> (vector<16xf32>)  : i32 {
        %get3A = arith.index_cast %scan3A_315 : i32 to index
        %get3A_317 = arith.index_cast %mul3A_304 : i32 to index
        %get3A_318 = tpu.vector_load %arg10[%get3A, %get3A_317] {strides = array<i32>} : memref<325x128xf32, #tpu.memory_space<vmem>>, vector<1x16xf32>,
        %get3A_319 = vector.shape_cast %get3A_318 : vector<1x16xf32> to vector<16xf32>
        %add3A_320 = arith.addf %scan3A_316, %get3A_319 : vector<16xf32>
        scf.yield %add3A_320 : vector<16xf32>
      }
      %scan3A_311 = arith.constant 176 : i32
      %swap3A = arith.index_cast %mul3A_304 : i32 to index
      %swap3A_312 = tpu.vector_load %arg15[%swap3A] {strides = array<i32>} : memref<128xf32, #tpu.memory_space<vmem>>, vector<16xf32>,
      %swap3A_313 = vector.shape_cast %swap3A_312 : vector<16xf32> to vector<16xf32>
      %swap3A_314 = vector.shape_cast %scan3A_310 : vector<16xf32> to vector<16xf32>
      tpu.vector_store %arg15[%swap3A], %swap3A_314 {strides = array<i32>} : memref<128xf32, #tpu.memory_space<vmem>>, vector<16xf32>,
    }
    %scan3A_117 = arith.constant 8 : i32
    %scan3A_118 = arith.constant 0 : i32
    %scan3A_119 = arith.constant 0 : i32
    %scan3A_120 = arith.constant 175 : i32
    %scan3A_121 = arith.addi %scan3A_119, %scan3A_120 : i32
    %scan3A_122 = arith.constant 1 : i32
    scf.for %scan3A_302 = %scan3A_119 to %scan3A_121 step %scan3A_122  : i32 {
      %dma_wait3A_303 = arith.constant 0 : i32
      %dma_wait3A_304 = tpu.memref_slice %arg10[%scan3A_302, %dma_wait3A_303] : memref<325x128xf32, #tpu.memory_space<vmem>> -> memref<1x128xf32, #tpu.memory_space<vmem>>
      %dma_wait3A_305 = tpu.memref_squeeze %dma_wait3A_304 : memref<1x128xf32, #tpu.memory_space<vmem>> -> memref<128xf32, #tpu.memory_space<vmem>>
      %dma_wait3A_306 = arith.constant 0 : i32
      %dma_wait3A_307 = tpu.memref_slice %arg5[%dma_wait3A_306] : memref<1000000xf32, #tpu.memory_space<hbm>> -> memref<128xf32, #tpu.memory_space<hbm>>
      %dma_wait3A_308 = arith.constant 0 : i32
      %dma_wait3A_309 = tpu.memref_slice %arg10[%scan3A_302, %dma_wait3A_308] : memref<325x128xf32, #tpu.memory_space<vmem>> -> memref<1x128xf32, #tpu.memory_space<vmem>>
      %dma_wait3A_310 = tpu.memref_squeeze %dma_wait3A_309 : memref<1x128xf32, #tpu.memory_space<vmem>> -> memref<128xf32, #tpu.memory_space<vmem>>
      %dma_wait3A_311 = arith.constant 0 : i32
      %dma_wait3A_312 = tpu.memref_slice %arg5[%dma_wait3A_311] : memref<1000000xf32, #tpu.memory_space<hbm>> -> memref<128xf32, #tpu.memory_space<hbm>>
      tpu.wait_dma2 semaphore(%arg18 : memref<!tpu.dma_semaphore, #tpu.memory_space<semaphore_mem>>) src(%dma_wait3A_312 : memref<128xf32, #tpu.memory_space<hbm>>) dst(%dma_wait3A_310 : memref<128xf32, #tpu.memory_space<vmem>>)
    }
    %scan3A_123 = arith.constant 175 : i32
    %add3A_124 = arith.constant 256 : i32
    %add3A_125 = arith.addi %mul3A_2, %add3A_124 : i32
    %dma_start3A_126 = arith.constant 0 : i32
    %dma_start3A_127 = tpu.memref_slice %arg4[%dma_start3A_126, %add3A_125] : memref<325x16384xi32, #tpu.memory_space<hbm>> -> memref<325x128xi32, #tpu.memory_space<hbm>>
    %dma_start3A_128 = arith.constant 0 : i32
    %dma_start3A_129 = tpu.memref_slice %arg4[%dma_start3A_128, %add3A_125] : memref<325x16384xi32, #tpu.memory_space<hbm>> -> memref<325x128xi32, #tpu.memory_space<hbm>>
    tpu.enqueue_dma source(%dma_start3A_129 : memref<325x128xi32, #tpu.memory_space<hbm>>) target(%arg9 : memref<325x128xi32, #tpu.memory_space<vmem>>) target_semaphore(%arg19 : memref<!tpu.dma_semaphore, #tpu.memory_space<semaphore_mem>>)
    %dma_start3A_130 = arith.constant 0 : i32
    %dma_start3A_131 = tpu.memref_slice %arg3[%dma_start3A_130, %add3A_125] : memref<26x16384xi32, #tpu.memory_space<hbm>> -> memref<26x128xi32, #tpu.memory_space<hbm>>
    %dma_start3A_132 = arith.constant 0 : i32
    %dma_start3A_133 = tpu.memref_slice %arg3[%dma_start3A_132, %add3A_125] : memref<26x16384xi32, #tpu.memory_space<hbm>> -> memref<26x128xi32, #tpu.memory_space<hbm>>
    tpu.enqueue_dma source(%dma_start3A_133 : memref<26x128xi32, #tpu.memory_space<hbm>>) target(%arg11 : memref<26x128xi32, #tpu.memory_space<vmem>>) target_semaphore(%arg19 : memref<!tpu.dma_semaphore, #tpu.memory_space<semaphore_mem>>)
    %dma_start3A_134 = arith.constant 0 : i32
    %dma_start3A_135 = arith.constant 0 : i32
    %dma_start3A_136 = tpu.memref_slice %arg13[%dma_start3A_134, %dma_start3A_135] : memref<26x128xf32, #tpu.memory_space<vmem>> -> memref<13x128xf32, #tpu.memory_space<vmem>>
    %dma_start3A_137 = arith.constant 0 : i32
    %dma_start3A_138 = tpu.memref_slice %arg2[%dma_start3A_137, %add3A_125] : memref<13x16384xf32, #tpu.memory_space<hbm>> -> memref<13x128xf32, #tpu.memory_space<hbm>>
    %dma_start3A_139 = arith.constant 0 : i32
    %dma_start3A_140 = arith.constant 0 : i32
    %dma_start3A_141 = tpu.memref_slice %arg13[%dma_start3A_139, %dma_start3A_140] : memref<26x128xf32, #tpu.memory_space<vmem>> -> memref<13x128xf32, #tpu.memory_space<vmem>>
    %dma_start3A_142 = arith.constant 0 : i32
    %dma_start3A_143 = tpu.memref_slice %arg2[%dma_start3A_142, %add3A_125] : memref<13x16384xf32, #tpu.memory_space<hbm>> -> memref<13x128xf32, #tpu.memory_space<hbm>>
    tpu.enqueue_dma source(%dma_start3A_143 : memref<13x128xf32, #tpu.memory_space<hbm>>) target(%dma_start3A_141 : memref<13x128xf32, #tpu.memory_space<vmem>>) target_semaphore(%arg19 : memref<!tpu.dma_semaphore, #tpu.memory_space<semaphore_mem>>)
    %dma_wait3A_144 = arith.constant 0 : i32
    %dma_wait3A_145 = arith.constant 0 : i32
    %dma_wait3A_146 = tpu.memref_slice %arg4[%dma_wait3A_144, %dma_wait3A_145] : memref<325x16384xi32, #tpu.memory_space<hbm>> -> memref<325x128xi32, #tpu.memory_space<hbm>>
    %dma_wait3A_147 = arith.constant 0 : i32
    %dma_wait3A_148 = arith.constant 0 : i32
    %dma_wait3A_149 = tpu.memref_slice %arg4[%dma_wait3A_147, %dma_wait3A_148] : memref<325x16384xi32, #tpu.memory_space<hbm>> -> memref<325x128xi32, #tpu.memory_space<hbm>>
    tpu.wait_dma2 semaphore(%arg19 : memref<!tpu.dma_semaphore, #tpu.memory_space<semaphore_mem>>) src(%dma_wait3A_149 : memref<325x128xi32, #tpu.memory_space<hbm>>) dst(%arg9 : memref<325x128xi32, #tpu.memory_space<vmem>>)
    %dma_wait3A_150 = arith.constant 0 : i32
    %dma_wait3A_151 = arith.constant 0 : i32
    %dma_wait3A_152 = tpu.memref_slice %arg3[%dma_wait3A_150, %dma_wait3A_151] : memref<26x16384xi32, #tpu.memory_space<hbm>> -> memref<26x128xi32, #tpu.memory_space<hbm>>
    %dma_wait3A_153 = arith.constant 0 : i32
    %dma_wait3A_154 = arith.constant 0 : i32
    %dma_wait3A_155 = tpu.memref_slice %arg3[%dma_wait3A_153, %dma_wait3A_154] : memref<26x16384xi32, #tpu.memory_space<hbm>> -> memref<26x128xi32, #tpu.memory_space<hbm>>
    tpu.wait_dma2 semaphore(%arg19 : memref<!tpu.dma_semaphore, #tpu.memory_space<semaphore_mem>>) src(%dma_wait3A_155 : memref<26x128xi32, #tpu.memory_space<hbm>>) dst(%arg11 : memref<26x128xi32, #tpu.memory_space<vmem>>)
    %dma_wait3A_156 = arith.constant 0 : i32
    %dma_wait3A_157 = arith.constant 0 : i32
    %dma_wait3A_158 = tpu.memref_slice %arg13[%dma_wait3A_156, %dma_wait3A_157] : memref<26x128xf32, #tpu.memory_space<vmem>> -> memref<13x128xf32, #tpu.memory_space<vmem>>
    %dma_wait3A_159 = arith.constant 0 : i32
    %dma_wait3A_160 = arith.constant 0 : i32
    %dma_wait3A_161 = tpu.memref_slice %arg2[%dma_wait3A_159, %dma_wait3A_160] : memref<13x16384xf32, #tpu.memory_space<hbm>> -> memref<13x128xf32, #tpu.memory_space<hbm>>
    %dma_wait3A_162 = arith.constant 0 : i32
    %dma_wait3A_163 = arith.constant 0 : i32
    %dma_wait3A_164 = tpu.memref_slice %arg13[%dma_wait3A_162, %dma_wait3A_163] : memref<26x128xf32, #tpu.memory_space<vmem>> -> memref<13x128xf32, #tpu.memory_space<vmem>>
    %dma_wait3A_165 = arith.constant 0 : i32
    %dma_wait3A_166 = arith.constant 0 : i32
    %dma_wait3A_167 = tpu.memref_slice %arg2[%dma_wait3A_165, %dma_wait3A_166] : memref<13x16384xf32, #tpu.memory_space<hbm>> -> memref<13x128xf32, #tpu.memory_space<hbm>>
    tpu.wait_dma2 semaphore(%arg19 : memref<!tpu.dma_semaphore, #tpu.memory_space<semaphore_mem>>) src(%dma_wait3A_167 : memref<13x128xf32, #tpu.memory_space<hbm>>) dst(%dma_wait3A_164 : memref<13x128xf32, #tpu.memory_space<vmem>>)
    %scan3A_168 = arith.constant 0 : i32
    %scan3A_169 = arith.constant 0 : i32
    %scan3A_170 = arith.constant 176 : i32
    %scan3A_171 = arith.addi %scan3A_169, %scan3A_170 : i32
    %scan3A_172 = arith.constant 1 : i32
    scf.for %scan3A_302 = %scan3A_169 to %scan3A_171 step %scan3A_172  : i32 {
      %dma_start3A_303 = arith.constant 0 : i32
      %dma_start3A_304 = tpu.memref_slice %arg10[%scan3A_302, %dma_start3A_303] : memref<325x128xf32, #tpu.memory_space<vmem>> -> memref<1x128xf32, #tpu.memory_space<vmem>>
      %dma_start3A_305 = tpu.memref_squeeze %dma_start3A_304 : memref<1x128xf32, #tpu.memory_space<vmem>> -> memref<128xf32, #tpu.memory_space<vmem>>
      %dma_start3A_306 = arith.constant 0 : i32
      %dma_start3A_307 = tpu.memref_slice %arg9[%scan3A_302, %dma_start3A_306] : memref<325x128xi32, #tpu.memory_space<vmem>> -> memref<1x128xi32, #tpu.memory_space<vmem>>
      %dma_start3A_308 = tpu.memref_squeeze %dma_start3A_307 : memref<1x128xi32, #tpu.memory_space<vmem>> -> memref<128xi32, #tpu.memory_space<vmem>>
      %dma_start3A_309 = arith.constant 0 : i32
      %dma_start3A_310 = tpu.memref_slice %arg6[%dma_start3A_309] : memref<1000000xf32, #tpu.memory_space<hbm>> -> memref<1000000xf32, #tpu.memory_space<hbm>>
      tpu.enqueue_indirect_dma source(%dma_start3A_310 : memref<1000000xf32, #tpu.memory_space<hbm>>) target(%dma_start3A_305 : memref<128xf32, #tpu.memory_space<vmem>>) offsets(%dma_start3A_308 : memref<128xi32, #tpu.memory_space<vmem>>) semaphore(%arg17 : memref<!tpu.dma_semaphore, #tpu.memory_space<semaphore_mem>>)
    }
    %scan3A_173 = arith.constant 176 : i32
    %scan3A_174 = arith.constant 0 : i32
    %scan3A_175 = arith.constant 0 : i32
    %scan3A_176 = arith.constant 8 : i32
    %scan3A_177 = arith.addi %scan3A_175, %scan3A_176 : i32
    %scan3A_178 = arith.constant 1 : i32
    scf.for %scan3A_302 = %scan3A_175 to %scan3A_177 step %scan3A_178  : i32 {
      %mul3A_303 = arith.constant 16 : i32
      %mul3A_304 = arith.muli %scan3A_302, %mul3A_303 : i32
      %get3A = arith.index_cast %mul3A_304 : i32 to index
      %get3A_305 = tpu.vector_load %arg15[%get3A] {strides = array<i32>} : memref<128xf32, #tpu.memory_space<vmem>>, vector<16xf32>,
      %get3A_306 = vector.shape_cast %get3A_305 : vector<16xf32> to vector<16xf32>
      %scan3A_307 = arith.constant 176 : i32
      %scan3A_308 = arith.constant 149 : i32
      %scan3A_309 = arith.addi %scan3A_307, %scan3A_308 : i32
      %scan3A_310 = arith.constant 1 : i32
      %scan3A_311 = scf.for %scan3A_337 = %scan3A_307 to %scan3A_309 step %scan3A_310 iter_args(%scan3A_338 = %get3A_306) -> (vector<16xf32>)  : i32 {
        %get3A_339 = arith.index_cast %scan3A_337 : i32 to index
        %get3A_340 = arith.index_cast %mul3A_304 : i32 to index
        %get3A_341 = tpu.vector_load %arg10[%get3A_339, %get3A_340] {strides = array<i32>} : memref<325x128xf32, #tpu.memory_space<vmem>>, vector<1x16xf32>,
        %get3A_342 = vector.shape_cast %get3A_341 : vector<1x16xf32> to vector<16xf32>
        %add3A_343 = arith.addf %scan3A_338, %get3A_342 : vector<16xf32>
        scf.yield %add3A_343 : vector<16xf32>
      }
      %scan3A_312 = arith.constant 149 : i32
      %scan3A_313 = arith.constant 0 : i32
      %scan3A_314 = arith.constant 26 : i32
      %scan3A_315 = arith.addi %scan3A_313, %scan3A_314 : i32
      %scan3A_316 = arith.constant 1 : i32
      %scan3A_317 = scf.for %scan3A_337 = %scan3A_313 to %scan3A_315 step %scan3A_316 iter_args(%scan3A_338 = %scan3A_311) -> (vector<16xf32>)  : i32 {
        %get3A_339 = arith.index_cast %scan3A_337 : i32 to index
        %get3A_340 = arith.index_cast %mul3A_304 : i32 to index
        %get3A_341 = tpu.vector_load %arg12[%get3A_339, %get3A_340] {strides = array<i32>} : memref<26x128xf32, #tpu.memory_space<vmem>>, vector<1x16xf32>,
        %get3A_342 = vector.shape_cast %get3A_341 : vector<1x16xf32> to vector<16xf32>
        %add3A_343 = arith.addf %scan3A_338, %get3A_342 : vector<16xf32>
        scf.yield %add3A_343 : vector<16xf32>
      }
      %scan3A_318 = arith.constant 26 : i32
      %scan3A_319 = arith.constant 0 : i32
      %scan3A_320 = arith.constant 13 : i32
      %scan3A_321 = arith.addi %scan3A_319, %scan3A_320 : i32
      %scan3A_322 = arith.constant 1 : i32
      %scan3A_323 = scf.for %scan3A_337 = %scan3A_319 to %scan3A_321 step %scan3A_322 iter_args(%scan3A_338 = %scan3A_317) -> (vector<16xf32>)  : i32 {
        %add3A_339 = arith.constant 13 : i32
        %add3A_340 = arith.addi %add3A_339, %scan3A_337 : i32
        %get3A_341 = arith.index_cast %add3A_340 : i32 to index
        %get3A_342 = arith.index_cast %mul3A_304 : i32 to index
        %get3A_343 = tpu.vector_load %arg13[%get3A_341, %get3A_342] {strides = array<i32>} : memref<26x128xf32, #tpu.memory_space<vmem>>, vector<1x16xf32>,
        %get3A_344 = vector.shape_cast %get3A_343 : vector<1x16xf32> to vector<16xf32>
        %mul3A_345 = arith.constant 16 : i32
        %mul3A_346 = arith.muli %scan3A_337, %mul3A_345 : i32
        %get3A_347 = arith.index_cast %mul3A_346 : i32 to index
        %get3A_348 = tpu.vector_load %arg14[%get3A_347] {strides = array<i32>} : memref<208xf32, #tpu.memory_space<vmem>>, vector<16xf32>,
        %get3A_349 = vector.shape_cast %get3A_348 : vector<16xf32> to vector<16xf32>
        %mul3A_350 = arith.mulf %get3A_344, %get3A_349 : vector<16xf32>
        %add3A_351 = arith.addf %scan3A_338, %mul3A_350 : vector<16xf32>
        scf.yield %add3A_351 : vector<16xf32>
      }
      %scan3A_324 = arith.constant 13 : i32
      %neg3A = arith.constant 0.000000e+00 : f32
      %neg3A_325 = vector.broadcast %neg3A : f32 to vector<16xf32>
      %neg3A_326 = arith.subf %neg3A_325, %scan3A_323 : vector<16xf32>
      %exp3A = math.exp %neg3A_326 : vector<16xf32>
      %add3A_327 = arith.constant 1.000000e+00 : f32
      %add3A_328 = vector.broadcast %add3A_327 : f32 to vector<16xf32>
      %add3A_329 = arith.addf %add3A_328, %exp3A : vector<16xf32>
      %div3A = arith.constant 1.000000e+00 : f32
      %div3A_330 = vector.broadcast %div3A : f32 to vector<16xf32>
      %div3A_331 = arith.divf %div3A_330, %add3A_329 : vector<16xf32>
      %add3A_332 = arith.constant 128 : i32
      %add3A_333 = arith.addi %add3A_332, %mul3A_304 : i32
      %swap3A = arith.index_cast %add3A_333 : i32 to index
      %swap3A_334 = tpu.vector_load %arg16[%swap3A] {strides = array<i32>} : memref<512xf32, #tpu.memory_space<vmem>>, vector<16xf32>,
      %swap3A_335 = vector.shape_cast %swap3A_334 : vector<16xf32> to vector<16xf32>
      %swap3A_336 = vector.shape_cast %div3A_331 : vector<16xf32> to vector<16xf32>
      tpu.vector_store %arg16[%swap3A], %swap3A_336 {strides = array<i32>} : memref<512xf32, #tpu.memory_space<vmem>>, vector<16xf32>,
    }
    %scan3A_179 = arith.constant 8 : i32
    %scan3A_180 = arith.constant 0 : i32
    %scan3A_181 = arith.constant 176 : i32
    %scan3A_182 = arith.constant 149 : i32
    %scan3A_183 = arith.addi %scan3A_181, %scan3A_182 : i32
    %scan3A_184 = arith.constant 1 : i32
    scf.for %scan3A_302 = %scan3A_181 to %scan3A_183 step %scan3A_184  : i32 {
      %dma_start3A_303 = arith.constant 0 : i32
      %dma_start3A_304 = tpu.memref_slice %arg10[%scan3A_302, %dma_start3A_303] : memref<325x128xf32, #tpu.memory_space<vmem>> -> memref<1x128xf32, #tpu.memory_space<vmem>>
      %dma_start3A_305 = tpu.memref_squeeze %dma_start3A_304 : memref<1x128xf32, #tpu.memory_space<vmem>> -> memref<128xf32, #tpu.memory_space<vmem>>
      %dma_start3A_306 = arith.constant 0 : i32
      %dma_start3A_307 = tpu.memref_slice %arg9[%scan3A_302, %dma_start3A_306] : memref<325x128xi32, #tpu.memory_space<vmem>> -> memref<1x128xi32, #tpu.memory_space<vmem>>
      %dma_start3A_308 = tpu.memref_squeeze %dma_start3A_307 : memref<1x128xi32, #tpu.memory_space<vmem>> -> memref<128xi32, #tpu.memory_space<vmem>>
      %dma_start3A_309 = arith.constant 0 : i32
      %dma_start3A_310 = tpu.memref_slice %arg6[%dma_start3A_309] : memref<1000000xf32, #tpu.memory_space<hbm>> -> memref<1000000xf32, #tpu.memory_space<hbm>>
      tpu.enqueue_indirect_dma source(%dma_start3A_310 : memref<1000000xf32, #tpu.memory_space<hbm>>) target(%dma_start3A_305 : memref<128xf32, #tpu.memory_space<vmem>>) offsets(%dma_start3A_308 : memref<128xi32, #tpu.memory_space<vmem>>) semaphore(%arg18 : memref<!tpu.dma_semaphore, #tpu.memory_space<semaphore_mem>>)
    }
    %scan3A_185 = arith.constant 149 : i32
    %scan3A_186 = arith.constant 0 : i32
    %scan3A_187 = arith.constant 0 : i32
    %scan3A_188 = arith.constant 26 : i32
    %scan3A_189 = arith.addi %scan3A_187, %scan3A_188 : i32
    %scan3A_190 = arith.constant 1 : i32
    scf.for %scan3A_302 = %scan3A_187 to %scan3A_189 step %scan3A_190  : i32 {
      %dma_start3A_303 = arith.constant 0 : i32
      %dma_start3A_304 = tpu.memref_slice %arg12[%scan3A_302, %dma_start3A_303] : memref<26x128xf32, #tpu.memory_space<vmem>> -> memref<1x128xf32, #tpu.memory_space<vmem>>
      %dma_start3A_305 = tpu.memref_squeeze %dma_start3A_304 : memref<1x128xf32, #tpu.memory_space<vmem>> -> memref<128xf32, #tpu.memory_space<vmem>>
      %dma_start3A_306 = arith.constant 0 : i32
      %dma_start3A_307 = tpu.memref_slice %arg11[%scan3A_302, %dma_start3A_306] : memref<26x128xi32, #tpu.memory_space<vmem>> -> memref<1x128xi32, #tpu.memory_space<vmem>>
      %dma_start3A_308 = tpu.memref_squeeze %dma_start3A_307 : memref<1x128xi32, #tpu.memory_space<vmem>> -> memref<128xi32, #tpu.memory_space<vmem>>
      %dma_start3A_309 = arith.constant 0 : i32
      %dma_start3A_310 = tpu.memref_slice %arg5[%dma_start3A_309] : memref<1000000xf32, #tpu.memory_space<hbm>> -> memref<1000000xf32, #tpu.memory_space<hbm>>
      tpu.enqueue_indirect_dma source(%dma_start3A_310 : memref<1000000xf32, #tpu.memory_space<hbm>>) target(%dma_start3A_305 : memref<128xf32, #tpu.memory_space<vmem>>) offsets(%dma_start3A_308 : memref<128xi32, #tpu.memory_space<vmem>>) semaphore(%arg18 : memref<!tpu.dma_semaphore, #tpu.memory_space<semaphore_mem>>)
    }
    %scan3A_191 = arith.constant 26 : i32
    %scan3A_192 = arith.constant 0 : i32
    %scan3A_193 = arith.constant 0 : i32
    %scan3A_194 = arith.constant 176 : i32
    %scan3A_195 = arith.addi %scan3A_193, %scan3A_194 : i32
    %scan3A_196 = arith.constant 1 : i32
    scf.for %scan3A_302 = %scan3A_193 to %scan3A_195 step %scan3A_196  : i32 {
      %dma_wait3A_303 = arith.constant 0 : i32
      %dma_wait3A_304 = tpu.memref_slice %arg10[%scan3A_302, %dma_wait3A_303] : memref<325x128xf32, #tpu.memory_space<vmem>> -> memref<1x128xf32, #tpu.memory_space<vmem>>
      %dma_wait3A_305 = tpu.memref_squeeze %dma_wait3A_304 : memref<1x128xf32, #tpu.memory_space<vmem>> -> memref<128xf32, #tpu.memory_space<vmem>>
      %dma_wait3A_306 = arith.constant 0 : i32
      %dma_wait3A_307 = tpu.memref_slice %arg5[%dma_wait3A_306] : memref<1000000xf32, #tpu.memory_space<hbm>> -> memref<128xf32, #tpu.memory_space<hbm>>
      %dma_wait3A_308 = arith.constant 0 : i32
      %dma_wait3A_309 = tpu.memref_slice %arg10[%scan3A_302, %dma_wait3A_308] : memref<325x128xf32, #tpu.memory_space<vmem>> -> memref<1x128xf32, #tpu.memory_space<vmem>>
      %dma_wait3A_310 = tpu.memref_squeeze %dma_wait3A_309 : memref<1x128xf32, #tpu.memory_space<vmem>> -> memref<128xf32, #tpu.memory_space<vmem>>
      %dma_wait3A_311 = arith.constant 0 : i32
      %dma_wait3A_312 = tpu.memref_slice %arg5[%dma_wait3A_311] : memref<1000000xf32, #tpu.memory_space<hbm>> -> memref<128xf32, #tpu.memory_space<hbm>>
      tpu.wait_dma2 semaphore(%arg17 : memref<!tpu.dma_semaphore, #tpu.memory_space<semaphore_mem>>) src(%dma_wait3A_312 : memref<128xf32, #tpu.memory_space<hbm>>) dst(%dma_wait3A_310 : memref<128xf32, #tpu.memory_space<vmem>>)
    }
    %scan3A_197 = arith.constant 176 : i32
    %scan3A_198 = arith.constant 0 : i32
    %scan3A_199 = arith.constant 0 : i32
    %scan3A_200 = arith.constant 8 : i32
    %scan3A_201 = arith.addi %scan3A_199, %scan3A_200 : i32
    %scan3A_202 = arith.constant 1 : i32
    scf.for %scan3A_302 = %scan3A_199 to %scan3A_201 step %scan3A_202  : i32 {
      %mul3A_303 = arith.constant 16 : i32
      %mul3A_304 = arith.muli %scan3A_302, %mul3A_303 : i32
      %broadcast_in_dim3A = arith.constant 0.000000e+00 : f32
      %broadcast_in_dim3A_305 = vector.broadcast %broadcast_in_dim3A : f32 to vector<16xf32>
      %scan3A_306 = arith.constant 0 : i32
      %scan3A_307 = arith.constant 176 : i32
      %scan3A_308 = arith.addi %scan3A_306, %scan3A_307 : i32
      %scan3A_309 = arith.constant 1 : i32
      %scan3A_310 = scf.for %scan3A_315 = %scan3A_306 to %scan3A_308 step %scan3A_309 iter_args(%scan3A_316 = %broadcast_in_dim3A_305) -> (vector<16xf32>)  : i32 {
        %get3A = arith.index_cast %scan3A_315 : i32 to index
        %get3A_317 = arith.index_cast %mul3A_304 : i32 to index
        %get3A_318 = tpu.vector_load %arg10[%get3A, %get3A_317] {strides = array<i32>} : memref<325x128xf32, #tpu.memory_space<vmem>>, vector<1x16xf32>,
        %get3A_319 = vector.shape_cast %get3A_318 : vector<1x16xf32> to vector<16xf32>
        %add3A_320 = arith.addf %scan3A_316, %get3A_319 : vector<16xf32>
        scf.yield %add3A_320 : vector<16xf32>
      }
      %scan3A_311 = arith.constant 176 : i32
      %swap3A = arith.index_cast %mul3A_304 : i32 to index
      %swap3A_312 = tpu.vector_load %arg15[%swap3A] {strides = array<i32>} : memref<128xf32, #tpu.memory_space<vmem>>, vector<16xf32>,
      %swap3A_313 = vector.shape_cast %swap3A_312 : vector<16xf32> to vector<16xf32>
      %swap3A_314 = vector.shape_cast %scan3A_310 : vector<16xf32> to vector<16xf32>
      tpu.vector_store %arg15[%swap3A], %swap3A_314 {strides = array<i32>} : memref<128xf32, #tpu.memory_space<vmem>>, vector<16xf32>,
    }
    %scan3A_203 = arith.constant 8 : i32
    %scan3A_204 = arith.constant 0 : i32
    %scan3A_205 = arith.constant 0 : i32
    %scan3A_206 = arith.constant 175 : i32
    %scan3A_207 = arith.addi %scan3A_205, %scan3A_206 : i32
    %scan3A_208 = arith.constant 1 : i32
    scf.for %scan3A_302 = %scan3A_205 to %scan3A_207 step %scan3A_208  : i32 {
      %dma_wait3A_303 = arith.constant 0 : i32
      %dma_wait3A_304 = tpu.memref_slice %arg10[%scan3A_302, %dma_wait3A_303] : memref<325x128xf32, #tpu.memory_space<vmem>> -> memref<1x128xf32, #tpu.memory_space<vmem>>
      %dma_wait3A_305 = tpu.memref_squeeze %dma_wait3A_304 : memref<1x128xf32, #tpu.memory_space<vmem>> -> memref<128xf32, #tpu.memory_space<vmem>>
      %dma_wait3A_306 = arith.constant 0 : i32
      %dma_wait3A_307 = tpu.memref_slice %arg5[%dma_wait3A_306] : memref<1000000xf32, #tpu.memory_space<hbm>> -> memref<128xf32, #tpu.memory_space<hbm>>
      %dma_wait3A_308 = arith.constant 0 : i32
      %dma_wait3A_309 = tpu.memref_slice %arg10[%scan3A_302, %dma_wait3A_308] : memref<325x128xf32, #tpu.memory_space<vmem>> -> memref<1x128xf32, #tpu.memory_space<vmem>>
      %dma_wait3A_310 = tpu.memref_squeeze %dma_wait3A_309 : memref<1x128xf32, #tpu.memory_space<vmem>> -> memref<128xf32, #tpu.memory_space<vmem>>
      %dma_wait3A_311 = arith.constant 0 : i32
      %dma_wait3A_312 = tpu.memref_slice %arg5[%dma_wait3A_311] : memref<1000000xf32, #tpu.memory_space<hbm>> -> memref<128xf32, #tpu.memory_space<hbm>>
      tpu.wait_dma2 semaphore(%arg18 : memref<!tpu.dma_semaphore, #tpu.memory_space<semaphore_mem>>) src(%dma_wait3A_312 : memref<128xf32, #tpu.memory_space<hbm>>) dst(%dma_wait3A_310 : memref<128xf32, #tpu.memory_space<vmem>>)
    }
    %scan3A_209 = arith.constant 175 : i32
    %add3A_210 = arith.constant 384 : i32
    %add3A_211 = arith.addi %mul3A_2, %add3A_210 : i32
    %dma_start3A_212 = arith.constant 0 : i32
    %dma_start3A_213 = tpu.memref_slice %arg4[%dma_start3A_212, %add3A_211] : memref<325x16384xi32, #tpu.memory_space<hbm>> -> memref<325x128xi32, #tpu.memory_space<hbm>>
    %dma_start3A_214 = arith.constant 0 : i32
    %dma_start3A_215 = tpu.memref_slice %arg4[%dma_start3A_214, %add3A_211] : memref<325x16384xi32, #tpu.memory_space<hbm>> -> memref<325x128xi32, #tpu.memory_space<hbm>>
    tpu.enqueue_dma source(%dma_start3A_215 : memref<325x128xi32, #tpu.memory_space<hbm>>) target(%arg9 : memref<325x128xi32, #tpu.memory_space<vmem>>) target_semaphore(%arg19 : memref<!tpu.dma_semaphore, #tpu.memory_space<semaphore_mem>>)
    %dma_start3A_216 = arith.constant 0 : i32
    %dma_start3A_217 = tpu.memref_slice %arg3[%dma_start3A_216, %add3A_211] : memref<26x16384xi32, #tpu.memory_space<hbm>> -> memref<26x128xi32, #tpu.memory_space<hbm>>
    %dma_start3A_218 = arith.constant 0 : i32
    %dma_start3A_219 = tpu.memref_slice %arg3[%dma_start3A_218, %add3A_211] : memref<26x16384xi32, #tpu.memory_space<hbm>> -> memref<26x128xi32, #tpu.memory_space<hbm>>
    tpu.enqueue_dma source(%dma_start3A_219 : memref<26x128xi32, #tpu.memory_space<hbm>>) target(%arg11 : memref<26x128xi32, #tpu.memory_space<vmem>>) target_semaphore(%arg19 : memref<!tpu.dma_semaphore, #tpu.memory_space<semaphore_mem>>)
    %dma_start3A_220 = arith.constant 13 : i32
    %dma_start3A_221 = arith.constant 0 : i32
    %dma_start3A_222 = tpu.memref_slice %arg13[%dma_start3A_220, %dma_start3A_221] : memref<26x128xf32, #tpu.memory_space<vmem>> -> memref<13x128xf32, #tpu.memory_space<vmem>>
    %dma_start3A_223 = arith.constant 0 : i32
    %dma_start3A_224 = tpu.memref_slice %arg2[%dma_start3A_223, %add3A_211] : memref<13x16384xf32, #tpu.memory_space<hbm>> -> memref<13x128xf32, #tpu.memory_space<hbm>>
    %dma_start3A_225 = arith.constant 13 : i32
    %dma_start3A_226 = arith.constant 0 : i32
    %dma_start3A_227 = tpu.memref_slice %arg13[%dma_start3A_225, %dma_start3A_226] : memref<26x128xf32, #tpu.memory_space<vmem>> -> memref<13x128xf32, #tpu.memory_space<vmem>>
    %dma_start3A_228 = arith.constant 0 : i32
    %dma_start3A_229 = tpu.memref_slice %arg2[%dma_start3A_228, %add3A_211] : memref<13x16384xf32, #tpu.memory_space<hbm>> -> memref<13x128xf32, #tpu.memory_space<hbm>>
    tpu.enqueue_dma source(%dma_start3A_229 : memref<13x128xf32, #tpu.memory_space<hbm>>) target(%dma_start3A_227 : memref<13x128xf32, #tpu.memory_space<vmem>>) target_semaphore(%arg19 : memref<!tpu.dma_semaphore, #tpu.memory_space<semaphore_mem>>)
    %dma_wait3A_230 = arith.constant 0 : i32
    %dma_wait3A_231 = arith.constant 0 : i32
    %dma_wait3A_232 = tpu.memref_slice %arg4[%dma_wait3A_230, %dma_wait3A_231] : memref<325x16384xi32, #tpu.memory_space<hbm>> -> memref<325x128xi32, #tpu.memory_space<hbm>>
    %dma_wait3A_233 = arith.constant 0 : i32
    %dma_wait3A_234 = arith.constant 0 : i32
    %dma_wait3A_235 = tpu.memref_slice %arg4[%dma_wait3A_233, %dma_wait3A_234] : memref<325x16384xi32, #tpu.memory_space<hbm>> -> memref<325x128xi32, #tpu.memory_space<hbm>>
    tpu.wait_dma2 semaphore(%arg19 : memref<!tpu.dma_semaphore, #tpu.memory_space<semaphore_mem>>) src(%dma_wait3A_235 : memref<325x128xi32, #tpu.memory_space<hbm>>) dst(%arg9 : memref<325x128xi32, #tpu.memory_space<vmem>>)
    %dma_wait3A_236 = arith.constant 0 : i32
    %dma_wait3A_237 = arith.constant 0 : i32
    %dma_wait3A_238 = tpu.memref_slice %arg3[%dma_wait3A_236, %dma_wait3A_237] : memref<26x16384xi32, #tpu.memory_space<hbm>> -> memref<26x128xi32, #tpu.memory_space<hbm>>
    %dma_wait3A_239 = arith.constant 0 : i32
    %dma_wait3A_240 = arith.constant 0 : i32
    %dma_wait3A_241 = tpu.memref_slice %arg3[%dma_wait3A_239, %dma_wait3A_240] : memref<26x16384xi32, #tpu.memory_space<hbm>> -> memref<26x128xi32, #tpu.memory_space<hbm>>
    tpu.wait_dma2 semaphore(%arg19 : memref<!tpu.dma_semaphore, #tpu.memory_space<semaphore_mem>>) src(%dma_wait3A_241 : memref<26x128xi32, #tpu.memory_space<hbm>>) dst(%arg11 : memref<26x128xi32, #tpu.memory_space<vmem>>)
    %dma_wait3A_242 = arith.constant 0 : i32
    %dma_wait3A_243 = arith.constant 0 : i32
    %dma_wait3A_244 = tpu.memref_slice %arg13[%dma_wait3A_242, %dma_wait3A_243] : memref<26x128xf32, #tpu.memory_space<vmem>> -> memref<13x128xf32, #tpu.memory_space<vmem>>
    %dma_wait3A_245 = arith.constant 0 : i32
    %dma_wait3A_246 = arith.constant 0 : i32
    %dma_wait3A_247 = tpu.memref_slice %arg2[%dma_wait3A_245, %dma_wait3A_246] : memref<13x16384xf32, #tpu.memory_space<hbm>> -> memref<13x128xf32, #tpu.memory_space<hbm>>
    %dma_wait3A_248 = arith.constant 0 : i32
    %dma_wait3A_249 = arith.constant 0 : i32
    %dma_wait3A_250 = tpu.memref_slice %arg13[%dma_wait3A_248, %dma_wait3A_249] : memref<26x128xf32, #tpu.memory_space<vmem>> -> memref<13x128xf32, #tpu.memory_space<vmem>>
    %dma_wait3A_251 = arith.constant 0 : i32
    %dma_wait3A_252 = arith.constant 0 : i32
    %dma_wait3A_253 = tpu.memref_slice %arg2[%dma_wait3A_251, %dma_wait3A_252] : memref<13x16384xf32, #tpu.memory_space<hbm>> -> memref<13x128xf32, #tpu.memory_space<hbm>>
    tpu.wait_dma2 semaphore(%arg19 : memref<!tpu.dma_semaphore, #tpu.memory_space<semaphore_mem>>) src(%dma_wait3A_253 : memref<13x128xf32, #tpu.memory_space<hbm>>) dst(%dma_wait3A_250 : memref<13x128xf32, #tpu.memory_space<vmem>>)
    %scan3A_254 = arith.constant 0 : i32
    %scan3A_255 = arith.constant 0 : i32
    %scan3A_256 = arith.constant 176 : i32
    %scan3A_257 = arith.addi %scan3A_255, %scan3A_256 : i32
    %scan3A_258 = arith.constant 1 : i32
    scf.for %scan3A_302 = %scan3A_255 to %scan3A_257 step %scan3A_258  : i32 {
      %dma_start3A_303 = arith.constant 0 : i32
      %dma_start3A_304 = tpu.memref_slice %arg10[%scan3A_302, %dma_start3A_303] : memref<325x128xf32, #tpu.memory_space<vmem>> -> memref<1x128xf32, #tpu.memory_space<vmem>>
      %dma_start3A_305 = tpu.memref_squeeze %dma_start3A_304 : memref<1x128xf32, #tpu.memory_space<vmem>> -> memref<128xf32, #tpu.memory_space<vmem>>
      %dma_start3A_306 = arith.constant 0 : i32
      %dma_start3A_307 = tpu.memref_slice %arg9[%scan3A_302, %dma_start3A_306] : memref<325x128xi32, #tpu.memory_space<vmem>> -> memref<1x128xi32, #tpu.memory_space<vmem>>
      %dma_start3A_308 = tpu.memref_squeeze %dma_start3A_307 : memref<1x128xi32, #tpu.memory_space<vmem>> -> memref<128xi32, #tpu.memory_space<vmem>>
      %dma_start3A_309 = arith.constant 0 : i32
      %dma_start3A_310 = tpu.memref_slice %arg6[%dma_start3A_309] : memref<1000000xf32, #tpu.memory_space<hbm>> -> memref<1000000xf32, #tpu.memory_space<hbm>>
      tpu.enqueue_indirect_dma source(%dma_start3A_310 : memref<1000000xf32, #tpu.memory_space<hbm>>) target(%dma_start3A_305 : memref<128xf32, #tpu.memory_space<vmem>>) offsets(%dma_start3A_308 : memref<128xi32, #tpu.memory_space<vmem>>) semaphore(%arg17 : memref<!tpu.dma_semaphore, #tpu.memory_space<semaphore_mem>>)
    }
    %scan3A_259 = arith.constant 176 : i32
    %scan3A_260 = arith.constant 0 : i32
    %scan3A_261 = arith.constant 0 : i32
    %scan3A_262 = arith.constant 8 : i32
    %scan3A_263 = arith.addi %scan3A_261, %scan3A_262 : i32
    %scan3A_264 = arith.constant 1 : i32
    scf.for %scan3A_302 = %scan3A_261 to %scan3A_263 step %scan3A_264  : i32 {
      %mul3A_303 = arith.constant 16 : i32
      %mul3A_304 = arith.muli %scan3A_302, %mul3A_303 : i32
      %get3A = arith.index_cast %mul3A_304 : i32 to index
      %get3A_305 = tpu.vector_load %arg15[%get3A] {strides = array<i32>} : memref<128xf32, #tpu.memory_space<vmem>>, vector<16xf32>,
      %get3A_306 = vector.shape_cast %get3A_305 : vector<16xf32> to vector<16xf32>
      %scan3A_307 = arith.constant 176 : i32
      %scan3A_308 = arith.constant 149 : i32
      %scan3A_309 = arith.addi %scan3A_307, %scan3A_308 : i32
      %scan3A_310 = arith.constant 1 : i32
      %scan3A_311 = scf.for %scan3A_337 = %scan3A_307 to %scan3A_309 step %scan3A_310 iter_args(%scan3A_338 = %get3A_306) -> (vector<16xf32>)  : i32 {
        %get3A_339 = arith.index_cast %scan3A_337 : i32 to index
        %get3A_340 = arith.index_cast %mul3A_304 : i32 to index
        %get3A_341 = tpu.vector_load %arg10[%get3A_339, %get3A_340] {strides = array<i32>} : memref<325x128xf32, #tpu.memory_space<vmem>>, vector<1x16xf32>,
        %get3A_342 = vector.shape_cast %get3A_341 : vector<1x16xf32> to vector<16xf32>
        %add3A_343 = arith.addf %scan3A_338, %get3A_342 : vector<16xf32>
        scf.yield %add3A_343 : vector<16xf32>
      }
      %scan3A_312 = arith.constant 149 : i32
      %scan3A_313 = arith.constant 0 : i32
      %scan3A_314 = arith.constant 26 : i32
      %scan3A_315 = arith.addi %scan3A_313, %scan3A_314 : i32
      %scan3A_316 = arith.constant 1 : i32
      %scan3A_317 = scf.for %scan3A_337 = %scan3A_313 to %scan3A_315 step %scan3A_316 iter_args(%scan3A_338 = %scan3A_311) -> (vector<16xf32>)  : i32 {
        %get3A_339 = arith.index_cast %scan3A_337 : i32 to index
        %get3A_340 = arith.index_cast %mul3A_304 : i32 to index
        %get3A_341 = tpu.vector_load %arg12[%get3A_339, %get3A_340] {strides = array<i32>} : memref<26x128xf32, #tpu.memory_space<vmem>>, vector<1x16xf32>,
        %get3A_342 = vector.shape_cast %get3A_341 : vector<1x16xf32> to vector<16xf32>
        %add3A_343 = arith.addf %scan3A_338, %get3A_342 : vector<16xf32>
        scf.yield %add3A_343 : vector<16xf32>
      }
      %scan3A_318 = arith.constant 26 : i32
      %scan3A_319 = arith.constant 0 : i32
      %scan3A_320 = arith.constant 13 : i32
      %scan3A_321 = arith.addi %scan3A_319, %scan3A_320 : i32
      %scan3A_322 = arith.constant 1 : i32
      %scan3A_323 = scf.for %scan3A_337 = %scan3A_319 to %scan3A_321 step %scan3A_322 iter_args(%scan3A_338 = %scan3A_317) -> (vector<16xf32>)  : i32 {
        %add3A_339 = arith.constant 0 : i32
        %add3A_340 = arith.addi %add3A_339, %scan3A_337 : i32
        %get3A_341 = arith.index_cast %add3A_340 : i32 to index
        %get3A_342 = arith.index_cast %mul3A_304 : i32 to index
        %get3A_343 = tpu.vector_load %arg13[%get3A_341, %get3A_342] {strides = array<i32>} : memref<26x128xf32, #tpu.memory_space<vmem>>, vector<1x16xf32>,
        %get3A_344 = vector.shape_cast %get3A_343 : vector<1x16xf32> to vector<16xf32>
        %mul3A_345 = arith.constant 16 : i32
        %mul3A_346 = arith.muli %scan3A_337, %mul3A_345 : i32
        %get3A_347 = arith.index_cast %mul3A_346 : i32 to index
        %get3A_348 = tpu.vector_load %arg14[%get3A_347] {strides = array<i32>} : memref<208xf32, #tpu.memory_space<vmem>>, vector<16xf32>,
        %get3A_349 = vector.shape_cast %get3A_348 : vector<16xf32> to vector<16xf32>
        %mul3A_350 = arith.mulf %get3A_344, %get3A_349 : vector<16xf32>
        %add3A_351 = arith.addf %scan3A_338, %mul3A_350 : vector<16xf32>
        scf.yield %add3A_351 : vector<16xf32>
      }
      %scan3A_324 = arith.constant 13 : i32
      %neg3A = arith.constant 0.000000e+00 : f32
      %neg3A_325 = vector.broadcast %neg3A : f32 to vector<16xf32>
      %neg3A_326 = arith.subf %neg3A_325, %scan3A_323 : vector<16xf32>
      %exp3A = math.exp %neg3A_326 : vector<16xf32>
      %add3A_327 = arith.constant 1.000000e+00 : f32
      %add3A_328 = vector.broadcast %add3A_327 : f32 to vector<16xf32>
      %add3A_329 = arith.addf %add3A_328, %exp3A : vector<16xf32>
      %div3A = arith.constant 1.000000e+00 : f32
      %div3A_330 = vector.broadcast %div3A : f32 to vector<16xf32>
      %div3A_331 = arith.divf %div3A_330, %add3A_329 : vector<16xf32>
      %add3A_332 = arith.constant 256 : i32
      %add3A_333 = arith.addi %add3A_332, %mul3A_304 : i32
      %swap3A = arith.index_cast %add3A_333 : i32 to index
      %swap3A_334 = tpu.vector_load %arg16[%swap3A] {strides = array<i32>} : memref<512xf32, #tpu.memory_space<vmem>>, vector<16xf32>,
      %swap3A_335 = vector.shape_cast %swap3A_334 : vector<16xf32> to vector<16xf32>
      %swap3A_336 = vector.shape_cast %div3A_331 : vector<16xf32> to vector<16xf32>
      tpu.vector_store %arg16[%swap3A], %swap3A_336 {strides = array<i32>} : memref<512xf32, #tpu.memory_space<vmem>>, vector<16xf32>,
    }
    %scan3A_265 = arith.constant 8 : i32
    %scan3A_266 = arith.constant 0 : i32
    %scan3A_267 = arith.constant 176 : i32
    %scan3A_268 = arith.constant 149 : i32
    %scan3A_269 = arith.addi %scan3A_267, %scan3A_268 : i32
    %scan3A_270 = arith.constant 1 : i32
    scf.for %scan3A_302 = %scan3A_267 to %scan3A_269 step %scan3A_270  : i32 {
      %dma_start3A_303 = arith.constant 0 : i32
      %dma_start3A_304 = tpu.memref_slice %arg10[%scan3A_302, %dma_start3A_303] : memref<325x128xf32, #tpu.memory_space<vmem>> -> memref<1x128xf32, #tpu.memory_space<vmem>>
      %dma_start3A_305 = tpu.memref_squeeze %dma_start3A_304 : memref<1x128xf32, #tpu.memory_space<vmem>> -> memref<128xf32, #tpu.memory_space<vmem>>
      %dma_start3A_306 = arith.constant 0 : i32
      %dma_start3A_307 = tpu.memref_slice %arg9[%scan3A_302, %dma_start3A_306] : memref<325x128xi32, #tpu.memory_space<vmem>> -> memref<1x128xi32, #tpu.memory_space<vmem>>
      %dma_start3A_308 = tpu.memref_squeeze %dma_start3A_307 : memref<1x128xi32, #tpu.memory_space<vmem>> -> memref<128xi32, #tpu.memory_space<vmem>>
      %dma_start3A_309 = arith.constant 0 : i32
      %dma_start3A_310 = tpu.memref_slice %arg6[%dma_start3A_309] : memref<1000000xf32, #tpu.memory_space<hbm>> -> memref<1000000xf32, #tpu.memory_space<hbm>>
      tpu.enqueue_indirect_dma source(%dma_start3A_310 : memref<1000000xf32, #tpu.memory_space<hbm>>) target(%dma_start3A_305 : memref<128xf32, #tpu.memory_space<vmem>>) offsets(%dma_start3A_308 : memref<128xi32, #tpu.memory_space<vmem>>) semaphore(%arg18 : memref<!tpu.dma_semaphore, #tpu.memory_space<semaphore_mem>>)
    }
    %scan3A_271 = arith.constant 149 : i32
    %scan3A_272 = arith.constant 0 : i32
    %scan3A_273 = arith.constant 0 : i32
    %scan3A_274 = arith.constant 26 : i32
    %scan3A_275 = arith.addi %scan3A_273, %scan3A_274 : i32
    %scan3A_276 = arith.constant 1 : i32
    scf.for %scan3A_302 = %scan3A_273 to %scan3A_275 step %scan3A_276  : i32 {
      %dma_start3A_303 = arith.constant 0 : i32
      %dma_start3A_304 = tpu.memref_slice %arg12[%scan3A_302, %dma_start3A_303] : memref<26x128xf32, #tpu.memory_space<vmem>> -> memref<1x128xf32, #tpu.memory_space<vmem>>
      %dma_start3A_305 = tpu.memref_squeeze %dma_start3A_304 : memref<1x128xf32, #tpu.memory_space<vmem>> -> memref<128xf32, #tpu.memory_space<vmem>>
      %dma_start3A_306 = arith.constant 0 : i32
      %dma_start3A_307 = tpu.memref_slice %arg11[%scan3A_302, %dma_start3A_306] : memref<26x128xi32, #tpu.memory_space<vmem>> -> memref<1x128xi32, #tpu.memory_space<vmem>>
      %dma_start3A_308 = tpu.memref_squeeze %dma_start3A_307 : memref<1x128xi32, #tpu.memory_space<vmem>> -> memref<128xi32, #tpu.memory_space<vmem>>
      %dma_start3A_309 = arith.constant 0 : i32
      %dma_start3A_310 = tpu.memref_slice %arg5[%dma_start3A_309] : memref<1000000xf32, #tpu.memory_space<hbm>> -> memref<1000000xf32, #tpu.memory_space<hbm>>
      tpu.enqueue_indirect_dma source(%dma_start3A_310 : memref<1000000xf32, #tpu.memory_space<hbm>>) target(%dma_start3A_305 : memref<128xf32, #tpu.memory_space<vmem>>) offsets(%dma_start3A_308 : memref<128xi32, #tpu.memory_space<vmem>>) semaphore(%arg18 : memref<!tpu.dma_semaphore, #tpu.memory_space<semaphore_mem>>)
    }
    %scan3A_277 = arith.constant 26 : i32
    %scan3A_278 = arith.constant 0 : i32
    %scan3A_279 = arith.constant 0 : i32
    %scan3A_280 = arith.constant 176 : i32
    %scan3A_281 = arith.addi %scan3A_279, %scan3A_280 : i32
    %scan3A_282 = arith.constant 1 : i32
    scf.for %scan3A_302 = %scan3A_279 to %scan3A_281 step %scan3A_282  : i32 {
      %dma_wait3A_303 = arith.constant 0 : i32
      %dma_wait3A_304 = tpu.memref_slice %arg10[%scan3A_302, %dma_wait3A_303] : memref<325x128xf32, #tpu.memory_space<vmem>> -> memref<1x128xf32, #tpu.memory_space<vmem>>
      %dma_wait3A_305 = tpu.memref_squeeze %dma_wait3A_304 : memref<1x128xf32, #tpu.memory_space<vmem>> -> memref<128xf32, #tpu.memory_space<vmem>>
      %dma_wait3A_306 = arith.constant 0 : i32
      %dma_wait3A_307 = tpu.memref_slice %arg5[%dma_wait3A_306] : memref<1000000xf32, #tpu.memory_space<hbm>> -> memref<128xf32, #tpu.memory_space<hbm>>
      %dma_wait3A_308 = arith.constant 0 : i32
      %dma_wait3A_309 = tpu.memref_slice %arg10[%scan3A_302, %dma_wait3A_308] : memref<325x128xf32, #tpu.memory_space<vmem>> -> memref<1x128xf32, #tpu.memory_space<vmem>>
      %dma_wait3A_310 = tpu.memref_squeeze %dma_wait3A_309 : memref<1x128xf32, #tpu.memory_space<vmem>> -> memref<128xf32, #tpu.memory_space<vmem>>
      %dma_wait3A_311 = arith.constant 0 : i32
      %dma_wait3A_312 = tpu.memref_slice %arg5[%dma_wait3A_311] : memref<1000000xf32, #tpu.memory_space<hbm>> -> memref<128xf32, #tpu.memory_space<hbm>>
      tpu.wait_dma2 semaphore(%arg17 : memref<!tpu.dma_semaphore, #tpu.memory_space<semaphore_mem>>) src(%dma_wait3A_312 : memref<128xf32, #tpu.memory_space<hbm>>) dst(%dma_wait3A_310 : memref<128xf32, #tpu.memory_space<vmem>>)
    }
    %scan3A_283 = arith.constant 176 : i32
    %scan3A_284 = arith.constant 0 : i32
    %scan3A_285 = arith.constant 0 : i32
    %scan3A_286 = arith.constant 8 : i32
    %scan3A_287 = arith.addi %scan3A_285, %scan3A_286 : i32
    %scan3A_288 = arith.constant 1 : i32
    scf.for %scan3A_302 = %scan3A_285 to %scan3A_287 step %scan3A_288  : i32 {
      %mul3A_303 = arith.constant 16 : i32
      %mul3A_304 = arith.muli %scan3A_302, %mul3A_303 : i32
      %broadcast_in_dim3A = arith.constant 0.000000e+00 : f32
      %broadcast_in_dim3A_305 = vector.broadcast %broadcast_in_dim3A : f32 to vector<16xf32>
      %scan3A_306 = arith.constant 0 : i32
      %scan3A_307 = arith.constant 176 : i32
      %scan3A_308 = arith.addi %scan3A_306, %scan3A_307 : i32
      %scan3A_309 = arith.constant 1 : i32
      %scan3A_310 = scf.for %scan3A_315 = %scan3A_306 to %scan3A_308 step %scan3A_309 iter_args(%scan3A_316 = %broadcast_in_dim3A_305) -> (vector<16xf32>)  : i32 {
        %get3A = arith.index_cast %scan3A_315 : i32 to index
        %get3A_317 = arith.index_cast %mul3A_304 : i32 to index
        %get3A_318 = tpu.vector_load %arg10[%get3A, %get3A_317] {strides = array<i32>} : memref<325x128xf32, #tpu.memory_space<vmem>>, vector<1x16xf32>,
        %get3A_319 = vector.shape_cast %get3A_318 : vector<1x16xf32> to vector<16xf32>
        %add3A_320 = arith.addf %scan3A_316, %get3A_319 : vector<16xf32>
        scf.yield %add3A_320 : vector<16xf32>
      }
      %scan3A_311 = arith.constant 176 : i32
      %swap3A = arith.index_cast %mul3A_304 : i32 to index
      %swap3A_312 = tpu.vector_load %arg15[%swap3A] {strides = array<i32>} : memref<128xf32, #tpu.memory_space<vmem>>, vector<16xf32>,
      %swap3A_313 = vector.shape_cast %swap3A_312 : vector<16xf32> to vector<16xf32>
      %swap3A_314 = vector.shape_cast %scan3A_310 : vector<16xf32> to vector<16xf32>
      tpu.vector_store %arg15[%swap3A], %swap3A_314 {strides = array<i32>} : memref<128xf32, #tpu.memory_space<vmem>>, vector<16xf32>,
    }
    %scan3A_289 = arith.constant 8 : i32
    %scan3A_290 = arith.constant 0 : i32
    %scan3A_291 = arith.constant 0 : i32
    %scan3A_292 = arith.constant 175 : i32
    %scan3A_293 = arith.addi %scan3A_291, %scan3A_292 : i32
    %scan3A_294 = arith.constant 1 : i32
    scf.for %scan3A_302 = %scan3A_291 to %scan3A_293 step %scan3A_294  : i32 {
      %dma_wait3A_303 = arith.constant 0 : i32
      %dma_wait3A_304 = tpu.memref_slice %arg10[%scan3A_302, %dma_wait3A_303] : memref<325x128xf32, #tpu.memory_space<vmem>> -> memref<1x128xf32, #tpu.memory_space<vmem>>
      %dma_wait3A_305 = tpu.memref_squeeze %dma_wait3A_304 : memref<1x128xf32, #tpu.memory_space<vmem>> -> memref<128xf32, #tpu.memory_space<vmem>>
      %dma_wait3A_306 = arith.constant 0 : i32
      %dma_wait3A_307 = tpu.memref_slice %arg5[%dma_wait3A_306] : memref<1000000xf32, #tpu.memory_space<hbm>> -> memref<128xf32, #tpu.memory_space<hbm>>
      %dma_wait3A_308 = arith.constant 0 : i32
      %dma_wait3A_309 = tpu.memref_slice %arg10[%scan3A_302, %dma_wait3A_308] : memref<325x128xf32, #tpu.memory_space<vmem>> -> memref<1x128xf32, #tpu.memory_space<vmem>>
      %dma_wait3A_310 = tpu.memref_squeeze %dma_wait3A_309 : memref<1x128xf32, #tpu.memory_space<vmem>> -> memref<128xf32, #tpu.memory_space<vmem>>
      %dma_wait3A_311 = arith.constant 0 : i32
      %dma_wait3A_312 = tpu.memref_slice %arg5[%dma_wait3A_311] : memref<1000000xf32, #tpu.memory_space<hbm>> -> memref<128xf32, #tpu.memory_space<hbm>>
      tpu.wait_dma2 semaphore(%arg18 : memref<!tpu.dma_semaphore, #tpu.memory_space<semaphore_mem>>) src(%dma_wait3A_312 : memref<128xf32, #tpu.memory_space<hbm>>) dst(%dma_wait3A_310 : memref<128xf32, #tpu.memory_space<vmem>>)
    }
    %scan3A_295 = arith.constant 175 : i32
    %scan3A_296 = arith.constant 0 : i32
    %scan3A_297 = arith.constant 0 : i32
    %scan3A_298 = arith.constant 8 : i32
    %scan3A_299 = arith.addi %scan3A_297, %scan3A_298 : i32
    %scan3A_300 = arith.constant 1 : i32
    scf.for %scan3A_302 = %scan3A_297 to %scan3A_299 step %scan3A_300  : i32 {
      %mul3A_303 = arith.constant 16 : i32
      %mul3A_304 = arith.muli %scan3A_302, %mul3A_303 : i32
      %get3A = arith.index_cast %mul3A_304 : i32 to index
      %get3A_305 = tpu.vector_load %arg15[%get3A] {strides = array<i32>} : memref<128xf32, #tpu.memory_space<vmem>>, vector<16xf32>,
      %get3A_306 = vector.shape_cast %get3A_305 : vector<16xf32> to vector<16xf32>
      %scan3A_307 = arith.constant 176 : i32
      %scan3A_308 = arith.constant 149 : i32
      %scan3A_309 = arith.addi %scan3A_307, %scan3A_308 : i32
      %scan3A_310 = arith.constant 1 : i32
      %scan3A_311 = scf.for %scan3A_337 = %scan3A_307 to %scan3A_309 step %scan3A_310 iter_args(%scan3A_338 = %get3A_306) -> (vector<16xf32>)  : i32 {
        %get3A_339 = arith.index_cast %scan3A_337 : i32 to index
        %get3A_340 = arith.index_cast %mul3A_304 : i32 to index
        %get3A_341 = tpu.vector_load %arg10[%get3A_339, %get3A_340] {strides = array<i32>} : memref<325x128xf32, #tpu.memory_space<vmem>>, vector<1x16xf32>,
        %get3A_342 = vector.shape_cast %get3A_341 : vector<1x16xf32> to vector<16xf32>
        %add3A_343 = arith.addf %scan3A_338, %get3A_342 : vector<16xf32>
        scf.yield %add3A_343 : vector<16xf32>
      }
      %scan3A_312 = arith.constant 149 : i32
      %scan3A_313 = arith.constant 0 : i32
      %scan3A_314 = arith.constant 26 : i32
      %scan3A_315 = arith.addi %scan3A_313, %scan3A_314 : i32
      %scan3A_316 = arith.constant 1 : i32
      %scan3A_317 = scf.for %scan3A_337 = %scan3A_313 to %scan3A_315 step %scan3A_316 iter_args(%scan3A_338 = %scan3A_311) -> (vector<16xf32>)  : i32 {
        %get3A_339 = arith.index_cast %scan3A_337 : i32 to index
        %get3A_340 = arith.index_cast %mul3A_304 : i32 to index
        %get3A_341 = tpu.vector_load %arg12[%get3A_339, %get3A_340] {strides = array<i32>} : memref<26x128xf32, #tpu.memory_space<vmem>>, vector<1x16xf32>,
        %get3A_342 = vector.shape_cast %get3A_341 : vector<1x16xf32> to vector<16xf32>
        %add3A_343 = arith.addf %scan3A_338, %get3A_342 : vector<16xf32>
        scf.yield %add3A_343 : vector<16xf32>
      }
      %scan3A_318 = arith.constant 26 : i32
      %scan3A_319 = arith.constant 0 : i32
      %scan3A_320 = arith.constant 13 : i32
      %scan3A_321 = arith.addi %scan3A_319, %scan3A_320 : i32
      %scan3A_322 = arith.constant 1 : i32
      %scan3A_323 = scf.for %scan3A_337 = %scan3A_319 to %scan3A_321 step %scan3A_322 iter_args(%scan3A_338 = %scan3A_317) -> (vector<16xf32>)  : i32 {
        %add3A_339 = arith.constant 13 : i32
        %add3A_340 = arith.addi %add3A_339, %scan3A_337 : i32
        %get3A_341 = arith.index_cast %add3A_340 : i32 to index
        %get3A_342 = arith.index_cast %mul3A_304 : i32 to index
        %get3A_343 = tpu.vector_load %arg13[%get3A_341, %get3A_342] {strides = array<i32>} : memref<26x128xf32, #tpu.memory_space<vmem>>, vector<1x16xf32>,
        %get3A_344 = vector.shape_cast %get3A_343 : vector<1x16xf32> to vector<16xf32>
        %mul3A_345 = arith.constant 16 : i32
        %mul3A_346 = arith.muli %scan3A_337, %mul3A_345 : i32
        %get3A_347 = arith.index_cast %mul3A_346 : i32 to index
        %get3A_348 = tpu.vector_load %arg14[%get3A_347] {strides = array<i32>} : memref<208xf32, #tpu.memory_space<vmem>>, vector<16xf32>,
        %get3A_349 = vector.shape_cast %get3A_348 : vector<16xf32> to vector<16xf32>
        %mul3A_350 = arith.mulf %get3A_344, %get3A_349 : vector<16xf32>
        %add3A_351 = arith.addf %scan3A_338, %mul3A_350 : vector<16xf32>
        scf.yield %add3A_351 : vector<16xf32>
      }
      %scan3A_324 = arith.constant 13 : i32
      %neg3A = arith.constant 0.000000e+00 : f32
      %neg3A_325 = vector.broadcast %neg3A : f32 to vector<16xf32>
      %neg3A_326 = arith.subf %neg3A_325, %scan3A_323 : vector<16xf32>
      %exp3A = math.exp %neg3A_326 : vector<16xf32>
      %add3A_327 = arith.constant 1.000000e+00 : f32
      %add3A_328 = vector.broadcast %add3A_327 : f32 to vector<16xf32>
      %add3A_329 = arith.addf %add3A_328, %exp3A : vector<16xf32>
      %div3A = arith.constant 1.000000e+00 : f32
      %div3A_330 = vector.broadcast %div3A : f32 to vector<16xf32>
      %div3A_331 = arith.divf %div3A_330, %add3A_329 : vector<16xf32>
      %add3A_332 = arith.constant 384 : i32
      %add3A_333 = arith.addi %add3A_332, %mul3A_304 : i32
      %swap3A = arith.index_cast %add3A_333 : i32 to index
      %swap3A_334 = tpu.vector_load %arg16[%swap3A] {strides = array<i32>} : memref<512xf32, #tpu.memory_space<vmem>>, vector<16xf32>,
      %swap3A_335 = vector.shape_cast %swap3A_334 : vector<16xf32> to vector<16xf32>
      %swap3A_336 = vector.shape_cast %div3A_331 : vector<16xf32> to vector<16xf32>
      tpu.vector_store %arg16[%swap3A], %swap3A_336 {strides = array<i32>} : memref<512xf32, #tpu.memory_space<vmem>>, vector<16xf32>,
    }
    %scan3A_301 = arith.constant 8 : i32
    "tpu.region"() ({
      %run_scoped3A = tpu.sem_alloc : memref<!tpu.dma_semaphore, #tpu.memory_space<semaphore_mem>>
      %dma_start3A_302 = tpu.memref_slice %arg8[%mul3A_2] : memref<16384xf32, #tpu.memory_space<hbm>> -> memref<512xf32, #tpu.memory_space<hbm>>
      %dma_start3A_303 = tpu.memref_slice %arg8[%mul3A_2] : memref<16384xf32, #tpu.memory_space<hbm>> -> memref<512xf32, #tpu.memory_space<hbm>>
      tpu.enqueue_dma source(%arg16 : memref<512xf32, #tpu.memory_space<vmem>>) target(%dma_start3A_303 : memref<512xf32, #tpu.memory_space<hbm>>) target_semaphore(%run_scoped3A : memref<!tpu.dma_semaphore, #tpu.memory_space<semaphore_mem>>)
      %dma_wait3A_304 = tpu.memref_slice %arg8[%mul3A_2] : memref<16384xf32, #tpu.memory_space<hbm>> -> memref<512xf32, #tpu.memory_space<hbm>>
      %dma_wait3A_305 = tpu.memref_slice %arg8[%mul3A_2] : memref<16384xf32, #tpu.memory_space<hbm>> -> memref<512xf32, #tpu.memory_space<hbm>>
      tpu.wait_dma2 semaphore(%run_scoped3A : memref<!tpu.dma_semaphore, #tpu.memory_space<semaphore_mem>>) src(%arg16 : memref<512xf32, #tpu.memory_space<vmem>>) dst(%dma_wait3A_305 : memref<512xf32, #tpu.memory_space<hbm>>)
      tpu.yield
    }) : () -> ()
    return
  }
}

</mosaic_0001>

<sc_bundles>
// kernel: kernel.3.cloned.1.call-start
scs
__scs_entry_jumppad:
0x0: {  	(pc) =	sbr.rel $0x88, $3  }
0x1: {  	(tag) =	ssettag $0x0;
	lr =	simm.s32 $0x1  }
0x2: {  	[smem:$0x3F9C] =	sst lr;
	_ =	strace $0xD0000000  }
0x3: {  	_ = 	snop  }
0x4: {  	_ = 	snop  }
0x5: {  	_ = 	snop  }
0x6: {  	_ = 	snop  }
0x7: {  	_ = 	snop  }
__scs_overlays_trampoline_lowered:
0x8: {  	[smem:$0x3FAB] =	sst s0  }
0x9: {  	[smem:$0x3FAC] =	sst s1  }
0xa: {  	[smem:$0x3FAD] =	sst s2  }
0xb: {  	[smem:$0x3FAE] =	sst s3  }
0xc: {  	[smem:$0x3FAF] =	sst s4  }
0xd: {  	[smem:$0x3FB0] =	sst s5  }
0xe: {  	[smem:$0x3FB1] =	sst s6  }
0xf: {  	[smem:$0x3FB2] =	sst s7  }
0x10: {  	[smem:$0x3FB3] =	sst s8  }
0x11: {  	[smem:$0x3FB4] =	sst s9;
	s0 =	simm.s32 @!p0 $0x0  }
0x12: {  	s1 =	sld [smem:$0x3F9A];
	s0 =	simm.s32 @p0 $0x1  }
0x13: {  	[smem:$0x3FB5] =	sst s0;
	s0 =	simm.s32 @!p1 $0x0  }
0x14: {  	s2 =	sld [smem:$0x3F99];
	s0 =	simm.s32 @p1 $0x1  }
0x15: {  	[smem:$0x3FB6] =	sst s0;
	s0 =	simm.s32 @!p2 $0x0  }
0x16: {  	s3 =	sld [smem:$0x3FDB];
	s0 =	simm.s32 @p2 $0x1  }
0x17: {  	s4 =	simm.s32 $0x1BF5;
	[smem:$0x3FB8] =	sst s0  }
0x18: {  	s0 =	sld [smem:$0x3F9B];
	_ =	swait.ge [sflag:s4], $0x0  }
0x19: {  	s7 =	sld [smem:$0x3F9C]  }
0x1a: {  	s8 =	sadd.s32 $0xFFFFE003, lr  }
0x1b: {  	s9 =	sadd.s32 $0xFFFFFEF7, lr;
	s5 =	simm.s32 $0xFFFFFFFF;
	p2 =	slt.u32 s8, $0xFFFFF086  }
0x1c: {  	p1 =	slt.u32 s9, $0xF7A;
	s5 =	simm.s32 @!p2 $0x0  }
0x1d: {  	s5 =	simm.s32 @p1 $0x1;
	p0 =	seq.s32 s7, s2  }
0x1e: {  	s7 =	smul.u32 @!p0 $0xF7A, s2;
	p2 =	seq.s32 @!p0 s5, $0x0  }
0x1f: {  	s9 =	smul.u32 $0xF7A, s1;
	s8 =	simm.s32 @!p0 $0x1BF5;
	p2 =	por !p2, p0  }
0x20: {  	[sflag:s8] =	ssyncset.s32 @!p0 $0xFFFFF086;
	s6 =	sadd.s32 @!p0 s3, s7;
	s7 =	simm.s32 @!p0 $0x108  }
0x21: {  	s3 =	sadd.s32 s3, s9;
	s6 =	sadd.s32 @!p0 $0x88, s6;
	s7 =	simm.s32 @p2 $0x1082  }
0x22: {  	[simem:s7], [sflag:s8] =	dma.local @!p0 [hbm:s6], $0xF7A  }
0x23: {  	s9 =	sor.u32 $0xD0000000, s2;
	s6 =	simm.s32 $0x108;
	_ =	swait.ge @!p0 [sflag:s8], $0x0  }
0x24: {  	s3 =	sadd.s32 $0x88, s3;
	s6 =	simm.s32 @!p1 $0x1082;
	[sflag:s4] =	ssyncset.s32 $0xFFFFF086  }
0x25: {  	[simem:s6], [sflag:s4] =	dma.local [hbm:s3], $0xF7A  }
0x26: {  	[smem:$0x3F9C] =	sst s1;
	(tag) =	ssettag s2;
	_ =	strace s9  }
0x27: {  	s1 =	sld [smem:$0x3FAC]  }
0x28: {  	s2 =	sld [smem:$0x3FAD]  }
0x29: {  	s4 =	sld [smem:$0x3FAF]  }
0x2a: {  	p0 =	seq.s32 s5, $0x0;
	s5 =	sld [smem:$0x3FB0]  }
0x2b: {  	s6 =	sld [smem:$0x3FB1]  }
0x2c: {  	s7 =	sld [smem:$0x3FB2]  }
0x2d: {  	s3 =	simm.s32 $0x108;
	s8 =	sld [smem:$0x3FB3]  }
0x2e: {  	s3 =	simm.s32 @!p0 $0x1082;
	s9 =	sld [smem:$0x3FB4]  }
0x2f: {  	lr =	sadd.s32 s0, s3;
	s0 =	sld [smem:$0x3FAB]  }
0x30: {  	s3 =	sld [smem:$0x3FAE]  }
0x31: {  	[smem:$0x3FB7] =	sst s10  }
0x32: {  	s10 =	sld [smem:$0x3FB5];
	_ =	sdelay $0x3  }
0x33: {  	p0 =	seq.s32 s10, $0x1;
	s10 =	sld [smem:$0x3FB7];
	_ =	sdelay $0x3  }
0x34: {  	[smem:$0x3FB7] =	sst s10  }
0x35: {  	s10 =	sld [smem:$0x3FB6];
	_ =	sdelay $0x3  }
0x36: {  	p1 =	seq.s32 s10, $0x1;
	s10 =	sld [smem:$0x3FB7];
	_ =	sdelay $0x3  }
0x37: {  	[smem:$0x3FB7] =	sst s10  }
0x38: {  	s10 =	sld [smem:$0x3FB8]  }
0x39: {  	_ = 	snop;
	(pc) =	sbr.ind lr, $3  }
0x3a: {  	_ = 	snop  }
0x3b: {  	_ = 	snop  }
0x3c: {  	p2 =	seq.s32 s10, $0x1;
	s10 =	sld [smem:$0x3FB7]  }
0x3d: {  	_ =	shalt  }
0x3e: {  	_ =	shalt  }
0x3f: {  	_ =	shalt  }
0x40: {  	_ =	shalt  }
0x41: {  	_ =	shalt  }
0x42: {  	_ =	shalt  }
0x43: {  	_ =	shalt  }
0x44: {  	_ =	shalt  }
0x45: {  	_ =	shalt  }
0x46: {  	_ =	shalt  }
0x47: {  	_ =	shalt  }
0x48: {  	_ =	shalt  }
0x49: {  	_ =	shalt  }
0x4a: {  	_ =	shalt  }
0x4b: {  	_ =	shalt  }
0x4c: {  	_ =	shalt  }
0x4d: {  	_ =	shalt  }
0x4e: {  	_ =	shalt  }
0x4f: {  	_ =	shalt  }
0x50: {  	_ =	shalt  }
0x51: {  	_ =	shalt  }
0x52: {  	_ =	shalt  }
0x53: {  	_ =	shalt  }
0x54: {  	_ =	shalt  }
0x55: {  	_ =	shalt  }
0x56: {  	_ =	shalt  }
0x57: {  	_ =	shalt  }
0x58: {  	_ =	shalt  }
0x59: {  	_ =	shalt  }
0x5a: {  	_ =	shalt  }
0x5b: {  	_ =	shalt  }
0x5c: {  	_ =	shalt  }
0x5d: {  	_ =	shalt  }
0x5e: {  	_ =	shalt  }
0x5f: {  	_ =	shalt  }
0x60: {  	_ =	shalt  }
0x61: {  	_ =	shalt  }
0x62: {  	_ =	shalt  }
0x63: {  	_ =	shalt  }
0x64: {  	_ =	shalt  }
0x65: {  	_ =	shalt  }
0x66: {  	_ =	shalt  }
0x67: {  	_ =	shalt  }
0x68: {  	_ =	shalt  }
0x69: {  	_ =	shalt  }
0x6a: {  	_ =	shalt  }
0x6b: {  	_ =	shalt  }
0x6c: {  	_ =	shalt  }
0x6d: {  	_ =	shalt  }
0x6e: {  	_ =	shalt  }
0x6f: {  	_ =	shalt  }
0x70: {  	_ =	shalt  }
0x71: {  	_ =	shalt  }
0x72: {  	_ =	shalt  }
0x73: {  	_ =	shalt  }
0x74: {  	_ =	shalt  }
0x75: {  	_ =	shalt  }
0x76: {  	_ =	shalt  }
0x77: {  	_ =	shalt  }
0x78: {  	_ =	shalt  }
0x79: {  	_ =	shalt  }
0x7a: {  	_ =	shalt  }
0x7b: {  	_ =	shalt  }
0x7c: {  	_ =	shalt  }
0x7d: {  	_ =	shalt  }
0x7e: {  	_ =	shalt  }
0x7f: {  	_ =	shalt  }
0x80: {  	_ =	shalt  }
0x81: {  	_ =	shalt  }
0x82: {  	_ =	shalt  }
0x83: {  	_ =	shalt  }
0x84: {  	_ =	shalt  }
0x85: {  	_ =	shalt  }
0x86: {  	_ =	shalt  }
0x87: {  	_ =	shalt  }
.Lfunc_end0:
.L_simem_size_0:
called_computation_lowered:
.L_overlay_start_0:
0x88: {  	s2 =	sld [smem:$0x3FD9]  }
0x89: {  	s3 =	sld [smem:$0x3FFE];
	_ =	sdelay $0x1  }
0x8a: {  	s1 =	srdreg.scid  }
0x8b: {  	s0 =	sand.u32 $0x1, s1  }
0x8c: {  	s17 =	sshll.u32 s0, $0xA;
	s2 =	sadd.s32 s3, s2  }
0x8d: {  	s2 =	sadd.s32 s2, s17  }
0x8e: {  	[smem:$0x3FC3] =	sst s2  }
0x8f: {  	_ = 	snop  }
0x90: {  	s2 =	sld [smem:$0x3FC9]  }
0x91: {  	s18 =	sld [smem:$0x3FC8]  }
0x92: {  	s4 =	sld [smem:$0x3FC7]  }
0x93: {  	s5 =	sld [smem:$0x3FD0];
	(tm) =	ssettm $0x1  }
0x94: {  	s6 =	sld [smem:$0x3FFB];
	_ =	sdelay $0x3  }
0x95: {  	_ =	strace s6  }
0x96: {  	s6 =	sld [smem:$0x3FFC];
	_ =	sdelay $0x3  }
0x97: {  	_ =	strace s6  }
0x98: {  	s6 =	sld [smem:$0x3FFD];
	_ =	sdelay $0x3  }
0x99: {  	_ =	strace s6  }
0x9a: {  	_ =	strace $0x8FFFFFFF  }
0x9b: {  	s19 =	sld [smem:$0x3FDB];
	_ =	sdelay $0x1  }
0x9c: {  	s7 =	simm.s32 $_scs_section_size  }
0x9d: {  	s8 =	simm.s32 $_size__tile_overlayer_lowered;
	s9 =	simm.s32 $_tile_overlayer_lowered  }
0x9e: {  	s22 =	simm.s32 $0x1BFF;
	s21 =	sshll.u32 s9, $0x1;
	s6 =	sadd.s32 s7, s19  }
0x9f: {  	s10 =	simm.s32 $0x0;
	s20 =	sshll.u32 s8, $0x1;
	s8 =	sadd.s32 s21, s6  }
0xa0: {  	[timem:s10], [sflag:s22] =	dma.local [hbm:s8], s20  }
0xa1: {  	_ =	swait.ge [sflag:s22], s20  }
0xa2: {  	s7 =	ssub.s32 $0x0, s20;
	[sflag:s22] =	ssyncset.done $0x0  }
0xa3: {  	[sflag:s22] =	ssyncadd.s32 s7;
	_ =	sdelay $0x1  }
0xa4: {  	s23 =	simm.s32 $0x1B8B  }
0xa5: {  	_ =	swait.ge [sflag:s23], $0x1  }
0xa6: {  	[sflag:s23] =	ssyncset.done $0x0  }
0xa7: {  	s25 =	simm.s32 $0x1B8E;
	s24 =	sld [smem:$0x3FFE];
	[sflag:s23] =	ssyncadd.s32 $0xFFFFFFFF  }
0xa8: {  	s26 =	simm.s32 $execute0_lowered;
	[smem:$0x3FD2] =	sst s25  }
0xa9: {  	s8 =	sshll.u32 s26, $0x1;
	_ =	strace $0x80000046;
	[dreg:$0x1] =	wrdreg $0xFFFFFFFF  }
0xaa: {  	s28 =	simm.s32 $_size_execute0_lowered;
	s6 =	sadd.s32 s6, s8;
	[dreg:$0x0] =	wrdreg $0x0  }
0xab: {  	s8 =	sshll.u32 s28, $0x1;
	[dreg:$0x2] =	wrdreg s6  }
0xac: {  	[dreg:$0x3] =	wrdreg s8  }
0xad: {  	[dreg:$0x4] =	wrdreg $0xC0  }
0xae: {  	_ =	task [dreg:s10], $0x5FFFF  }
0xaf: {  	[dreg:$0x1] =	wrdreg $0xFFFFFFFF  }
0xb0: {  	[dreg:$0x0] =	wrdreg $0x60  }
0xb1: {  	[dreg:$0x2] =	wrdreg s2  }
0xb2: {  	[dreg:$0x3] =	wrdreg s18  }
0xb3: {  	[dreg:$0x4] =	wrdreg s4  }
0xb4: {  	[dreg:$0x5] =	wrdreg s24  }
0xb5: {  	[dreg:$0x6] =	wrdreg s5  }
0xb6: {  	[dreg:$0x7] =	wrdreg $0x9  }
0xb7: {  	_ =	task.clear_ibuf [dreg:s10], $0x8FFFF;
	_ =	strace $0x90000046  }
0xb8: {  	s29 =	simm.s32 $0x9;
	_ =	strace $0x80000048  }
0xb9: {  	_ =	swait.ge [sflag:s29], $0x1  }
0xba: {  	[sflag:s29] =	ssyncadd.s32 $0xFFFFFFFF  }
0xbb: {  	_ =	strace $0x90000048  }
0xbc: {  	_ =	sfence  }
0xbd: {  	s30 =	sld [smem:$0x0];
	_ =	sdelay $0x2  }
0xbe: {  	s31 =	sshll.u32 s1, $0xD;
	s1 =	sshrl.u32 s1, $0x2  }
0xbf: {  	s3 =	sand.u32 $0x4000, s31;
	s1 =	sadd.s32 s1, s30  }
0xc0: {  	s0 =	sor.u32 s3, s0;
	s1 =	sshll.u32 s1, $0x11  }
0xc1: {  	s0 =	sor.u32 s1, s0  }
0xc2: {  	s0 =	sadd.s32 $0x8F2B, s0  }
0xc3: {  	[sflag:s0] =	ssyncadd.remote.s32 $0x1  }
0xc4: {  	_ =	sfence.sel $0xFFFF  }
0xc5: {  	[dreg:$0x0] =	wrdreg $0xFFFFFFFF;
	(pc) =	sbr.abs _section_cstart, $3  }
0xc6: {  	[dreg:$0x1] =	wrdreg $0xFFFFFFFF  }
0xc7: {  	_ =	task.clear_ibuf [dreg:s10], $0x2FFFF;
	_ =	strace $0x9FFFFFFF  }
0xc8: {  	(tm) =	ssettm $0x7FFFFFFF  }
0xc9: {  	_ =	shalt  }
tec
execute0_lowered:
.L_overlay_start_1:
0x0: {  	(tag) =	ssettag $0x1  }
0x1: {  	s0 =	rddreg [dreg:$0x0]  }
0x2: {  	s1 =	rddreg [dreg:$0x1]  }
0x3: {  	s2 =	rddreg [dreg:$0x2]  }
0x4: {  	s10 =	rddreg [dreg:$0x3]  }
0x5: {  	s6 =	rddreg [dreg:$0x4]  }
0x6: {  	s3 =	simm.s32 $0x0;
	s4 =	srdreg.scid;
	s5 =	stileid.u32  }
0x7: {  	s30 =	simm.s32 $0x80;
	s12 =	simm.s32 $0x15180;
	s13 =	simm.s32 $0x15200  }
0x8: {  	s14 =	simm.s32 $0x16200;
	s15 =	simm.s32 $0x15280;
	s31 =	simm.s32 $0x16300  }
0x9: {  	s28 =	simm.s32 $0x16480;
	s29 =	simm.s32 $0x1;
	s4 =	sand.u32 $0x1, s4  }
0xa: {  	[smem:$0x7FF] =	sst s3;
	s5 =	sshll.u32 s5, $0xA;
	s8 =	sshll.u32 s4, $0x9  }
0xb: {  	_ =	strace $0x80000047;
	s7 =	ssub.s32 $0x2, s4;
	s8 =	sor.u32 s8, s5  }
0xc: {  	s4 =	sadd.s32 $0x200, s10;
	s9 =	sshrl.u32 s7, $0x1;
	s16 =	sadd.s32 s2, s8  }
0xd: {  	s5 =	sadd.s32 $0x1EC00, s10;
	s17 =	sadd.s32 s1, s8;
	[dreg:$0x6] =	wrdreg s16  }
0xe: {  	s18 =	sadd.s32 s0, s8;
	s19 =	sor.u32 $0x80, s8;
	[dreg:$0x7] =	wrdreg s17  }
0xf: {  	s7 =	ssub.s32 s7, s9;
	[dreg:$0x8] =	wrdreg s18;
	s20 =	sadd.s32 s2, s19  }
0x10: {  	s22 =	sor.u32 $0x100, s8;
	s21 =	sadd.s32 s1, s19;
	[dreg:$0x9] =	wrdreg s20  }
0x11: {  	s24 =	sor.u32 $0x180, s8;
	s9 =	sadd.s32 s0, s19;
	[dreg:$0xa] =	wrdreg s21  }
0x12: {  	s25 =	sshrl.u32 s8, $0x3;
	s23 =	sadd.s32 s2, s22;
	[dreg:$0xb] =	wrdreg s9  }
0x13: {  	s11 =	sadd.s32 s1, s22;
	s10 =	sadd.s32 s0, s22;
	[dreg:$0xc] =	wrdreg s23  }
0x14: {  	s2 =	sadd.s32 s2, s24;
	s1 =	sadd.s32 s1, s24;
	[dreg:$0xd] =	wrdreg s11  }
0x15: {  	s0 =	sadd.s32 s0, s24;
	s26 =	smax.u32 s7, $0x1;
	[dreg:$0xe] =	wrdreg s10  }
0x16: {  	s22 =	simm.s32 $0x400;
	s24 =	simm.s32 $0x16180;
	[dreg:$0xf] =	wrdreg s2  }
0x17: {  	s16 =	simm.s32 $0x16280;
	s17 =	simm.s32 $0x15300;
	[dreg:$0x10] =	wrdreg s1  }
0x18: {  	s18 =	simm.s32 $0x2;
	s19 =	simm.s32 $0x3;
	[dreg:$0x11] =	wrdreg s0  }
0x19: {  	s0 =	sadd.s32 s6, s25;
	[dreg:$0x13] =	wrdreg s26;
	s21 =	simm.s32 $0x4  }
0x1a: {  	s23 =	simm.s32 $0x20000;
	s25 =	simm.s32 $0x14800;
	s26 =	simm.s32 $0x15400  }
0x1b: {  	s2 =	simm.s32 $0x16380;
	s20 =	simm.s32 $0x16400;
	s1 =	simm.s32 $0x15480  }
0x1c: {  	s6 =	simm.s32 $0x0;
	[dreg:$0x12] =	wrdreg s0;
	s0 =	simm.s32 $0x15380  }
.LBB2_1:
0x1d: {  	s7 =	rddreg [dreg:$0x3];
	s8 =	simm.s32 $0x17800  }
0x1e: {  	[tilespmem:s8], [sflag:$0x4] =	stream.linear.gather [hbm4b:s7+s3], $0x100, $0x38;
	[tilespmem:$0x17B80] =	vst v63  }
0x1f: {  	_ =	swait.ge [sflag:s21], $0x100  }
0x20: {  	[sflag:s21] =	ssyncset.done $0x0  }
0x21: {  	s10 =	rddreg [dreg:$0x6];
	[sflag:s21] =	ssyncadd.s32 $0xFFFFFF00  }
0x22: {  	[tilespmem:s3], [sflag:$0x4] =	stream.strided.gather [hbm4b:s10+s22], $0xA000, s23, s22, $0x38;
	[tilespmem:$0x17B80] =	vst v63  }
0x23: {  	s11 =	simm.s32 $0xA000;
	s7 =	sadd.s32 $0xA0000, s10  }
0x24: {  	[tilespmem:s11], [sflag:$0x4] =	stream.linear.gather [hbm4b:s7+s3], $0x280, $0x38;
	[tilespmem:$0x17B80] =	vst v63  }
0x25: {  	_ =	swait.ge [sflag:s21], $0xA280  }
0x26: {  	[sflag:s21] =	ssyncset.done $0x0  }
0x27: {  	s8 =	rddreg [dreg:$0x7];
	[sflag:s21] =	ssyncadd.s32 $0xFFFF5D80  }
0x28: {  	[tilespmem:s25], [sflag:$0x4] =	stream.strided.gather [hbm4b:s8+s22], $0xC00, s23, s22, $0x38;
	[tilespmem:$0x17B80] =	vst v63  }
0x29: {  	s7 =	sadd.s32 $0xC000, s8  }
0x2a: {  	[tilespmem:s26], [sflag:$0x4] =	stream.linear.gather [hbm4b:s7+s3], $0x100, $0x38;
	[tilespmem:$0x17B80] =	vst v63  }
0x2b: {  	_ =	swait.ge [sflag:s21], $0xD00  }
0x2c: {  	[sflag:s21] =	ssyncset.done $0x0  }
0x2d: {  	s10 =	simm.s32 $0x16800;
	s9 =	rddreg [dreg:$0x8];
	[sflag:s21] =	ssyncadd.s32 $0xFFFFF300  }
0x2e: {  	[tilespmem:s10], [sflag:$0x4] =	stream.linear.gather [hbm4b:s9+s3], $0x400, $0x38;
	[tilespmem:$0x17B80] =	vst v63  }
0x2f: {  	s11 =	simm.s32 $0x16C00;
	s7 =	sadd.s32 $0x4000, s9  }
0x30: {  	[tilespmem:s11], [sflag:$0x4] =	stream.linear.gather [hbm4b:s7+s3], $0x280, $0x38;
	[tilespmem:$0x17B80] =	vst v63  }
0x31: {  	_ =	swait.ge [sflag:s21], $0x680  }
0x32: {  	[sflag:s21] =	ssyncset.done $0x0  }
0x33: {  	s7 =	simm.s32 $0x0;
	[sflag:s21] =	ssyncadd.s32 $0xFFFFF980  }
.LBB2_2:
0x34: {  	p0 =	sne.s32 s7, $0x15E00  }
.Ltmp0:
0x35: {  	_ = 	snop;
	(pc) =	sbr.rel @p0 .LBB2_2-.Ltmp0, $4  }
0x36: {  	_ = 	snop  }
0x37: {  	s8 =	sshra.s32 s7, $0x2  }
0x38: {  	s7 =	sadd.s32 $0x200, s7;
	s9 =	sadd.s32 $0xA400, s8  }
0x39: {  	[tilespmem:s9], [sflag:$0x1] =	stream.indirect.gather [hbm4b:s5+s30], $0x1, s8, s30, $0xb8;
	[tilespmem:$0x17B80] =	vst v63  }
0x3a: {  	s7 =	simm.s32 $0x200;
	s8 =	simm.s32 $0xFC00;
	s9 =	simm.s32 $0x5800  }
.LBB2_4:
0x3b: {  	[tilespmem:s8], [sflag:$0x2] =	stream.indirect.gather [hbm4b:s5+s30], $0x1, s9, s30, $0xb8;
	[tilespmem:$0x17B80] =	vst v63  }
0x3c: {  	s8 =	smov.u32 s7;
	p0 =	sne.s32 s7, $0x12800  }
.Ltmp1:
0x3d: {  	s7 =	sadd.s32 $0x200, s7;
	(pc) =	sbr.rel @p0 .LBB2_4-.Ltmp1, $3  }
0x3e: {  	_ =	sdelay $0x1  }
0x3f: {  	s9 =	sshra.s32 s8, $0x2  }
0x40: {  	s8 =	sadd.s32 $0xFC00, s9;
	s9 =	sadd.s32 $0x5800, s9  }
0x41: {  	[tilespmem:s8], [sflag:$0x2] =	stream.indirect.gather [hbm4b:s5+s30], $0x1, s9, s30, $0xb8;
	[tilespmem:$0x17B80] =	vst v63  }
0x42: {  	s7 =	simm.s32 $0x15800  }
0x43: {  	[tilespmem:s7], [sflag:$0x2] =	stream.indirect.gather [hbm4b:s4+s30], $0x1, s25, s30, $0xb8;
	[tilespmem:$0x17B80] =	vst v63  }
0x44: {  	s8 =	simm.s32 $0x14880;
	s9 =	simm.s32 $0x15880  }
0x45: {  	[tilespmem:s9], [sflag:$0x2] =	stream.indirect.gather [hbm4b:s4+s30], $0x1, s8, s30, $0xb8;
	[tilespmem:$0x17B80] =	vst v63  }
0x46: {  	s10 =	simm.s32 $0x14900;
	s11 =	simm.s32 $0x15900  }
0x47: {  	[tilespmem:s11], [sflag:$0x2] =	stream.indirect.gather [hbm4b:s4+s30], $0x1, s10, s30, $0xb8;
	[tilespmem:$0x17B80] =	vst v63  }
0x48: {  	s8 =	simm.s32 $0x14980;
	s9 =	simm.s32 $0x15980  }
0x49: {  	[tilespmem:s9], [sflag:$0x2] =	stream.indirect.gather [hbm4b:s4+s30], $0x1, s8, s30, $0xb8;
	[tilespmem:$0x17B80] =	vst v63  }
0x4a: {  	s10 =	simm.s32 $0x14A00;
	s11 =	simm.s32 $0x15A00  }
0x4b: {  	[tilespmem:s11], [sflag:$0x2] =	stream.indirect.gather [hbm4b:s4+s30], $0x1, s10, s30, $0xb8;
	[tilespmem:$0x17B80] =	vst v63  }
0x4c: {  	s8 =	simm.s32 $0x14A80;
	s9 =	simm.s32 $0x15A80  }
0x4d: {  	[tilespmem:s9], [sflag:$0x2] =	stream.indirect.gather [hbm4b:s4+s30], $0x1, s8, s30, $0xb8;
	[tilespmem:$0x17B80] =	vst v63  }
0x4e: {  	s10 =	simm.s32 $0x14B00;
	s11 =	simm.s32 $0x15B00  }
0x4f: {  	[tilespmem:s11], [sflag:$0x2] =	stream.indirect.gather [hbm4b:s4+s30], $0x1, s10, s30, $0xb8;
	[tilespmem:$0x17B80] =	vst v63  }
0x50: {  	s8 =	simm.s32 $0x14B80;
	s9 =	simm.s32 $0x15B80  }
0x51: {  	[tilespmem:s9], [sflag:$0x2] =	stream.indirect.gather [hbm4b:s4+s30], $0x1, s8, s30, $0xb8;
	[tilespmem:$0x17B80] =	vst v63  }
0x52: {  	s10 =	simm.s32 $0x14C00;
	s11 =	simm.s32 $0x15C00  }
0x53: {  	[tilespmem:s11], [sflag:$0x2] =	stream.indirect.gather [hbm4b:s4+s30], $0x1, s10, s30, $0xb8;
	[tilespmem:$0x17B80] =	vst v63  }
0x54: {  	s8 =	simm.s32 $0x14C80;
	s9 =	simm.s32 $0x15C80  }
0x55: {  	[tilespmem:s9], [sflag:$0x2] =	stream.indirect.gather [hbm4b:s4+s30], $0x1, s8, s30, $0xb8;
	[tilespmem:$0x17B80] =	vst v63  }
0x56: {  	s10 =	simm.s32 $0x14D00;
	s11 =	simm.s32 $0x15D00  }
0x57: {  	[tilespmem:s11], [sflag:$0x2] =	stream.indirect.gather [hbm4b:s4+s30], $0x1, s10, s30, $0xb8;
	[tilespmem:$0x17B80] =	vst v63  }
0x58: {  	s8 =	simm.s32 $0x14D80;
	s9 =	simm.s32 $0x15D80  }
0x59: {  	[tilespmem:s9], [sflag:$0x2] =	stream.indirect.gather [hbm4b:s4+s30], $0x1, s8, s30, $0xb8;
	[tilespmem:$0x17B80] =	vst v63  }
0x5a: {  	s10 =	simm.s32 $0x14E00;
	s11 =	simm.s32 $0x15E00  }
0x5b: {  	[tilespmem:s11], [sflag:$0x2] =	stream.indirect.gather [hbm4b:s4+s30], $0x1, s10, s30, $0xb8;
	[tilespmem:$0x17B80] =	vst v63  }
0x5c: {  	s8 =	simm.s32 $0x14E80;
	s9 =	simm.s32 $0x15E80  }
0x5d: {  	[tilespmem:s9], [sflag:$0x2] =	stream.indirect.gather [hbm4b:s4+s30], $0x1, s8, s30, $0xb8;
	[tilespmem:$0x17B80] =	vst v63  }
0x5e: {  	s10 =	simm.s32 $0x14F00;
	s11 =	simm.s32 $0x15F00  }
0x5f: {  	[tilespmem:s11], [sflag:$0x2] =	stream.indirect.gather [hbm4b:s4+s30], $0x1, s10, s30, $0xb8;
	[tilespmem:$0x17B80] =	vst v63  }
0x60: {  	s8 =	simm.s32 $0x14F80;
	s9 =	simm.s32 $0x15F80  }
0x61: {  	[tilespmem:s9], [sflag:$0x2] =	stream.indirect.gather [hbm4b:s4+s30], $0x1, s8, s30, $0xb8;
	[tilespmem:$0x17B80] =	vst v63  }
0x62: {  	s10 =	simm.s32 $0x15000;
	s11 =	simm.s32 $0x16000  }
0x63: {  	[tilespmem:s11], [sflag:$0x2] =	stream.indirect.gather [hbm4b:s4+s30], $0x1, s10, s30, $0xb8;
	[tilespmem:$0x17B80] =	vst v63  }
0x64: {  	s8 =	simm.s32 $0x15080;
	s9 =	simm.s32 $0x16080  }
0x65: {  	[tilespmem:s9], [sflag:$0x2] =	stream.indirect.gather [hbm4b:s4+s30], $0x1, s8, s30, $0xb8;
	[tilespmem:$0x17B80] =	vst v63  }
0x66: {  	s10 =	simm.s32 $0x15100;
	s11 =	simm.s32 $0x16100  }
0x67: {  	[tilespmem:s11], [sflag:$0x2] =	stream.indirect.gather [hbm4b:s4+s30], $0x1, s10, s30, $0xb8;
	[tilespmem:$0x17B80] =	vst v63  }
0x68: {  	_ = 	snop  }
0x69: {  	[tilespmem:s24], [sflag:$0x2] =	stream.indirect.gather [hbm4b:s4+s30], $0x1, s12, s30, $0xb8;
	[tilespmem:$0x17B80] =	vst v63  }
0x6a: {  	_ = 	snop  }
0x6b: {  	[tilespmem:s14], [sflag:$0x2] =	stream.indirect.gather [hbm4b:s4+s30], $0x1, s13, s30, $0xb8;
	[tilespmem:$0x17B80] =	vst v63  }
0x6c: {  	_ = 	snop  }
0x6d: {  	[tilespmem:s16], [sflag:$0x2] =	stream.indirect.gather [hbm4b:s4+s30], $0x1, s15, s30, $0xb8;
	[tilespmem:$0x17B80] =	vst v63  }
0x6e: {  	_ = 	snop  }
0x6f: {  	[tilespmem:s31], [sflag:$0x2] =	stream.indirect.gather [hbm4b:s4+s30], $0x1, s17, s30, $0xb8;
	[tilespmem:$0x17B80] =	vst v63  }
0x70: {  	_ = 	snop  }
0x71: {  	[tilespmem:s2], [sflag:$0x2] =	stream.indirect.gather [hbm4b:s4+s30], $0x1, s0, s30, $0xb8;
	[tilespmem:$0x17B80] =	vst v63  }
0x72: {  	_ = 	snop  }
0x73: {  	[tilespmem:s20], [sflag:$0x2] =	stream.indirect.gather [hbm4b:s4+s30], $0x1, s26, s30, $0xb8;
	[tilespmem:$0x17B80] =	vst v63  }
0x74: {  	s7 =	simm.s32 $0xB0  }
0x75: {  	[tilespmem:s28], [sflag:$0x2] =	stream.indirect.gather [hbm4b:s4+s30], $0x1, s1, s30, $0xb8;
	[tilespmem:$0x17B80] =	vst v63  }
.LBB2_6:
0x76: {  	p0 =	sne.s32 s7, $0x1  }
.Ltmp2:
0x77: {  	_ = 	snop;
	(pc) =	sbr.rel @p0 .LBB2_6-.Ltmp2, $4  }
0x78: {  	_ = 	snop  }
0x79: {  	_ =	swait.ge [sflag:s29], $0x80  }
0x7a: {  	[sflag:s29] =	ssyncset.done $0x0  }
0x7b: {  	s7 =	sadd.s32 $0xFFFFFFFF, s7;
	[sflag:s29] =	ssyncadd.s32 $0xFFFFFF80  }
0x7c: {  	s8 =	simm.s32 $0x0  }
0x7d: {  	v0 =	vimm.f32 $0.0e+00;
	s7 =	simm.s32 $0x200;
	v1 =	vld [tilespmem:s8+$0xA400]  }
.LBB2_8:
0x7e: {  	p0 =	sne.s32 s7, $0x15E00  }
.Ltmp3:
0x7f: {  	_ = 	snop;
	(pc) =	sbr.rel @p0 .LBB2_8-.Ltmp3, $3  }
0x80: {  	_ =	sdelay $0x1  }
0x81: {  	s8 =	sshra.s32 s7, $0x2;
	s7 =	sadd.s32 $0x200, s7;
	v0 =	vadd.f32 v1, v0  }
0x82: {  	v1 =	vld [tilespmem:s8+$0xA400]  }
0x83: {  	_ =	sdelay $0x3  }
0x84: {  	v0 =	vadd.f32 v1, v0;
	_ =	sdelay $0x1  }
0x85: {  	s8 =	simm.s32 $0x10;
	[tilespmem:$0x17900] =	vst v0  }
0x86: {  	s7 =	simm.s32 $0x240;
	v0 =	vimm.f32 $0.0e+00;
	v1 =	vld [tilespmem:s8+$0xA400]  }
.LBB2_10:
0x87: {  	p0 =	sne.s32 s7, $0x15E40  }
.Ltmp4:
0x88: {  	_ = 	snop;
	(pc) =	sbr.rel @p0 .LBB2_10-.Ltmp4, $3  }
0x89: {  	_ =	sdelay $0x1  }
0x8a: {  	s8 =	sshra.s32 s7, $0x2;
	s7 =	sadd.s32 $0x200, s7;
	v0 =	vadd.f32 v1, v0  }
0x8b: {  	v1 =	vld [tilespmem:s8+$0xA400]  }
0x8c: {  	_ =	sdelay $0x3  }
0x8d: {  	v0 =	vadd.f32 v1, v0;
	_ =	sdelay $0x1  }
0x8e: {  	s8 =	simm.s32 $0x20;
	[tilespmem:$0x17910] =	vst v0  }
0x8f: {  	s7 =	simm.s32 $0x280;
	v0 =	vimm.f32 $0.0e+00;
	v1 =	vld [tilespmem:s8+$0xA400]  }
.LBB2_12:
0x90: {  	p0 =	sne.s32 s7, $0x15E80  }
.Ltmp5:
0x91: {  	_ = 	snop;
	(pc) =	sbr.rel @p0 .LBB2_12-.Ltmp5, $3  }
0x92: {  	_ =	sdelay $0x1  }
0x93: {  	s8 =	sshra.s32 s7, $0x2;
	s7 =	sadd.s32 $0x200, s7;
	v0 =	vadd.f32 v1, v0  }
0x94: {  	v1 =	vld [tilespmem:s8+$0xA400]  }
0x95: {  	_ =	sdelay $0x3  }
0x96: {  	v0 =	vadd.f32 v1, v0;
	_ =	sdelay $0x1  }
0x97: {  	s8 =	simm.s32 $0x30;
	[tilespmem:$0x17920] =	vst v0  }
0x98: {  	s7 =	simm.s32 $0x2C0;
	v0 =	vimm.f32 $0.0e+00;
	v1 =	vld [tilespmem:s8+$0xA400]  }
.LBB2_14:
0x99: {  	p0 =	sne.s32 s7, $0x15EC0  }
.Ltmp6:
0x9a: {  	_ = 	snop;
	(pc) =	sbr.rel @p0 .LBB2_14-.Ltmp6, $3  }
0x9b: {  	_ =	sdelay $0x1  }
0x9c: {  	s8 =	sshra.s32 s7, $0x2;
	s7 =	sadd.s32 $0x200, s7;
	v0 =	vadd.f32 v1, v0  }
0x9d: {  	v1 =	vld [tilespmem:s8+$0xA400]  }
0x9e: {  	_ =	sdelay $0x3  }
0x9f: {  	v0 =	vadd.f32 v1, v0;
	_ =	sdelay $0x1  }
0xa0: {  	s8 =	simm.s32 $0x40;
	[tilespmem:$0x17930] =	vst v0  }
0xa1: {  	s7 =	simm.s32 $0x300;
	v0 =	vimm.f32 $0.0e+00;
	v1 =	vld [tilespmem:s8+$0xA400]  }
.LBB2_16:
0xa2: {  	p0 =	sne.s32 s7, $0x15F00  }
.Ltmp7:
0xa3: {  	_ = 	snop;
	(pc) =	sbr.rel @p0 .LBB2_16-.Ltmp7, $3  }
0xa4: {  	_ =	sdelay $0x1  }
0xa5: {  	s8 =	sshra.s32 s7, $0x2;
	s7 =	sadd.s32 $0x200, s7;
	v0 =	vadd.f32 v1, v0  }
0xa6: {  	v1 =	vld [tilespmem:s8+$0xA400]  }
0xa7: {  	_ =	sdelay $0x3  }
0xa8: {  	v0 =	vadd.f32 v1, v0;
	_ =	sdelay $0x1  }
0xa9: {  	s8 =	simm.s32 $0x50;
	[tilespmem:$0x17940] =	vst v0  }
0xaa: {  	s7 =	simm.s32 $0x340;
	v0 =	vimm.f32 $0.0e+00;
	v1 =	vld [tilespmem:s8+$0xA400]  }
.LBB2_18:
0xab: {  	p0 =	sne.s32 s7, $0x15F40  }
.Ltmp8:
0xac: {  	_ = 	snop;
	(pc) =	sbr.rel @p0 .LBB2_18-.Ltmp8, $3  }
0xad: {  	_ =	sdelay $0x1  }
0xae: {  	s8 =	sshra.s32 s7, $0x2;
	s7 =	sadd.s32 $0x200, s7;
	v0 =	vadd.f32 v1, v0  }
0xaf: {  	v1 =	vld [tilespmem:s8+$0xA400]  }
0xb0: {  	_ =	sdelay $0x3  }
0xb1: {  	v0 =	vadd.f32 v1, v0;
	_ =	sdelay $0x1  }
0xb2: {  	s8 =	simm.s32 $0x60;
	[tilespmem:$0x17950] =	vst v0  }
0xb3: {  	s7 =	simm.s32 $0x380;
	v0 =	vimm.f32 $0.0e+00;
	v1 =	vld [tilespmem:s8+$0xA400]  }
.LBB2_20:
0xb4: {  	p0 =	sne.s32 s7, $0x15F80  }
.Ltmp9:
0xb5: {  	_ = 	snop;
	(pc) =	sbr.rel @p0 .LBB2_20-.Ltmp9, $3  }
0xb6: {  	_ =	sdelay $0x1  }
0xb7: {  	s8 =	sshra.s32 s7, $0x2;
	s7 =	sadd.s32 $0x200, s7;
	v0 =	vadd.f32 v1, v0  }
0xb8: {  	v1 =	vld [tilespmem:s8+$0xA400]  }
0xb9: {  	_ =	sdelay $0x3  }
0xba: {  	v0 =	vadd.f32 v1, v0;
	_ =	sdelay $0x1  }
0xbb: {  	s8 =	simm.s32 $0x70;
	[tilespmem:$0x17960] =	vst v0  }
0xbc: {  	s7 =	simm.s32 $0x3C0;
	v0 =	vimm.f32 $0.0e+00;
	v1 =	vld [tilespmem:s8+$0xA400]  }
.LBB2_22:
0xbd: {  	p0 =	sne.s32 s7, $0x15FC0  }
.Ltmp10:
0xbe: {  	_ = 	snop;
	(pc) =	sbr.rel @p0 .LBB2_22-.Ltmp10, $3  }
0xbf: {  	_ =	sdelay $0x1  }
0xc0: {  	s8 =	sshra.s32 s7, $0x2;
	s7 =	sadd.s32 $0x200, s7;
	v0 =	vadd.f32 v1, v0  }
0xc1: {  	v1 =	vld [tilespmem:s8+$0xA400]  }
0xc2: {  	_ =	sdelay $0x3  }
0xc3: {  	v0 =	vadd.f32 v1, v0;
	_ =	sdelay $0x1  }
0xc4: {  	[tilespmem:$0x17970] =	vst v0  }
0xc5: {  	_ =	swait.ge [sflag:s18], $0x80  }
0xc6: {  	s7 =	simm.s32 $0xAE;
	[sflag:s18] =	ssyncset.done $0x0  }
.LBB2_24:
0xc7: {  	p0 =	sne.s32 s7, $0x1;
	s7 =	sadd.s32 $0xFFFFFFFF, s7;
	[sflag:s18] =	ssyncadd.s32 $0xFFFFFF80  }
.Ltmp11:
0xc8: {  	(pc) =	sbr.rel @p0 .LBB2_24-.Ltmp11, $3  }
0xc9: {  	_ =	sdelay $0x1  }
0xca: {  	_ =	swait.ge [sflag:s18], $0x80  }
0xcb: {  	[sflag:s18] =	ssyncset.done $0x0  }
0xcc: {  	[sflag:s18] =	ssyncadd.s32 $0xFFFFFF80;
	s7 =	simm.s32 $0x0;
	s8 =	rddreg [dreg:$0x9]  }
0xcd: {  	[tilespmem:s7], [sflag:$0x3] =	stream.strided.gather [hbm4b:s8+s22], $0xA000, s23, s22, $0x38;
	[tilespmem:$0x17B80] =	vst v63  }
0xce: {  	s9 =	simm.s32 $0xA000;
	s8 =	sadd.s32 $0xA0000, s8  }
0xcf: {  	[tilespmem:s9], [sflag:$0x3] =	stream.linear.gather [hbm4b:s8+s7], $0x280, $0x38;
	[tilespmem:$0x17B80] =	vst v63  }
0xd0: {  	s10 =	rddreg [dreg:$0xa]  }
0xd1: {  	[tilespmem:s25], [sflag:$0x3] =	stream.strided.gather [hbm4b:s10+s22], $0xC00, s23, s22, $0x38;
	[tilespmem:$0x17B80] =	vst v63  }
0xd2: {  	s8 =	sadd.s32 $0xC000, s10  }
0xd3: {  	[tilespmem:s26], [sflag:$0x3] =	stream.linear.gather [hbm4b:s8+s7], $0x100, $0x38;
	[tilespmem:$0x17B80] =	vst v63  }
0xd4: {  	s11 =	rddreg [dreg:$0xb];
	s10 =	simm.s32 $0x16E80  }
0xd5: {  	[tilespmem:s10], [sflag:$0x3] =	stream.linear.gather [hbm4b:s11+s7], $0x400, $0x38;
	[tilespmem:$0x17B80] =	vst v63  }
0xd6: {  	s8 =	sadd.s32 $0x4000, s11;
	s11 =	simm.s32 $0x17280  }
0xd7: {  	[tilespmem:s11], [sflag:$0x3] =	stream.linear.gather [hbm4b:s8+s7], $0x280, $0x38;
	[tilespmem:$0x17B80] =	vst v63  }
0xd8: {  	_ =	swait.ge [sflag:s19], $0xA280  }
0xd9: {  	[sflag:s19] =	ssyncset.done $0x0  }
0xda: {  	[sflag:s19] =	ssyncadd.s32 $0xFFFF5D80  }
0xdb: {  	_ =	swait.ge [sflag:s19], $0xD00  }
0xdc: {  	[sflag:s19] =	ssyncset.done $0x0  }
0xdd: {  	[sflag:s19] =	ssyncadd.s32 $0xFFFFF300  }
0xde: {  	_ =	swait.ge [sflag:s19], $0x680  }
0xdf: {  	[sflag:s19] =	ssyncset.done $0x0  }
0xe0: {  	s8 =	simm.s32 $0x0;
	[sflag:s19] =	ssyncadd.s32 $0xFFFFF980  }
.LBB2_26:
0xe1: {  	p0 =	sne.s32 s8, $0x15E00  }
.Ltmp12:
0xe2: {  	_ = 	snop;
	(pc) =	sbr.rel @p0 .LBB2_26-.Ltmp12, $4  }
0xe3: {  	_ = 	snop  }
0xe4: {  	s9 =	sshra.s32 s8, $0x2  }
0xe5: {  	s8 =	sadd.s32 $0x200, s8;
	s10 =	sadd.s32 $0xA400, s9  }
0xe6: {  	[tilespmem:s10], [sflag:$0x1] =	stream.indirect.gather [hbm4b:s5+s30], $0x1, s9, s30, $0xb8;
	[tilespmem:$0x17B80] =	vst v63  }
0xe7: {  	s8 =	simm.s32 $0xFC00  }
.LBB2_28:
0xe8: {  	v1 =	vmov s8;
	_ =	sdelay $0x2  }
0xe9: {  	s9 =	sshll.u32 s7, $0x4  }
0xea: {  	s11 =	simm.s32 $0x0;
	v0 =	vld [tilespmem:s9+$0x17900]  }
0xeb: {  	s10 =	simm.s32 $0x200;
	v2 =	vld.idx.msk [tilespmem:v1+s11+$0x0 ss:$0x1], $0xffff  }
.LBB2_29:
0xec: {  	p0 =	seq.s32 s10, $0x12800  }
.Ltmp13:
0xed: {  	_ = 	snop;
	(pc) =	sbr.rel @!p0 .LBB2_29-.Ltmp13, $3  }
0xee: {  	_ =	sdelay $0x1  }
0xef: {  	s11 =	sshra.s32 s10, $0x2;
	s10 =	sadd.s32 $0x200, s10  }
0xf0: {  	v0 =	vadd.f32 v2, v0;
	v2 =	vld.idx.msk [tilespmem:v1+s11+$0x0 ss:$0x1], $0xffff  }
0xf1: {  	_ = 	snop  }
0xf2: {  	v1 =	vld [tilespmem:s9+$0x15800];
	_ =	sdelay $0x1  }
0xf3: {  	v7 =	vld [tilespmem:s9+$0x15880]  }
0xf4: {  	v0 =	vadd.f32 v2, v0  }
0xf5: {  	v3 =	vld [tilespmem:s9+$0x15900]  }
0xf6: {  	v0 =	vadd.f32 v1, v0  }
0xf7: {  	v8 =	vld [tilespmem:s9+$0x15980]  }
0xf8: {  	v0 =	vadd.f32 v7, v0  }
0xf9: {  	v9 =	vld [tilespmem:s9+$0x15A00]  }
0xfa: {  	v0 =	vadd.f32 v3, v0  }
0xfb: {  	v10 =	vld [tilespmem:s9+$0x15A80]  }
0xfc: {  	v0 =	vadd.f32 v8, v0  }
0xfd: {  	v11 =	vld [tilespmem:s9+$0x15B00]  }
0xfe: {  	v0 =	vadd.f32 v9, v0  }
0xff: {  	v12 =	vld [tilespmem:s9+$0x15B80]  }
0x100: {  	v0 =	vadd.f32 v10, v0  }
0x101: {  	v13 =	vld [tilespmem:s9+$0x15C00]  }
0x102: {  	v0 =	vadd.f32 v11, v0  }
0x103: {  	v14 =	vld [tilespmem:s9+$0x15C80]  }
0x104: {  	v0 =	vadd.f32 v12, v0  }
0x105: {  	v15 =	vld [tilespmem:s9+$0x15D00]  }
0x106: {  	v0 =	vadd.f32 v13, v0  }
0x107: {  	v16 =	vld [tilespmem:s9+$0x15D80]  }
0x108: {  	v0 =	vadd.f32 v14, v0  }
0x109: {  	v17 =	vld [tilespmem:s9+$0x15E00]  }
0x10a: {  	v0 =	vadd.f32 v15, v0  }
0x10b: {  	v18 =	vld [tilespmem:s9+$0x15E80]  }
0x10c: {  	v0 =	vadd.f32 v16, v0  }
0x10d: {  	v19 =	vld [tilespmem:s9+$0x15F00]  }
0x10e: {  	v0 =	vadd.f32 v17, v0  }
0x10f: {  	v20 =	vld [tilespmem:s9+$0x15F80]  }
0x110: {  	v0 =	vadd.f32 v18, v0  }
0x111: {  	v21 =	vld [tilespmem:s9+$0x16000]  }
0x112: {  	v0 =	vadd.f32 v19, v0  }
0x113: {  	v22 =	vld [tilespmem:s9+$0x16080]  }
0x114: {  	v0 =	vadd.f32 v20, v0  }
0x115: {  	v23 =	vld [tilespmem:s9+$0x16100]  }
0x116: {  	v0 =	vadd.f32 v21, v0  }
0x117: {  	v24 =	vld [tilespmem:s9+$0x16180]  }
0x118: {  	v0 =	vadd.f32 v22, v0  }
0x119: {  	v25 =	vld [tilespmem:s9+$0x16200]  }
0x11a: {  	v0 =	vadd.f32 v23, v0  }
0x11b: {  	v26 =	vld [tilespmem:s9+$0x16280]  }
0x11c: {  	v0 =	vadd.f32 v24, v0  }
0x11d: {  	v27 =	vld [tilespmem:s9+$0x16300]  }
0x11e: {  	v0 =	vadd.f32 v25, v0  }
0x11f: {  	v28 =	vld [tilespmem:s9+$0x16380]  }
0x120: {  	v29 =	vld [tilespmem:s9+$0x16400];
	v0 =	vadd.f32 v26, v0  }
0x121: {  	v4 =	vld [tilespmem:s9+$0x16480]  }
0x122: {  	v30 =	vld [tilespmem:s9+$0x16800];
	v0 =	vadd.f32 v27, v0  }
0x123: {  	v5 =	vld [tilespmem:$0x17800]  }
0x124: {  	v31 =	vld [tilespmem:s9+$0x16880];
	v0 =	vadd.f32 v28, v0  }
0x125: {  	v6 =	vld [tilespmem:$0x17810]  }
0x126: {  	v32 =	vld [tilespmem:s9+$0x16900];
	v0 =	vadd.f32 v29, v0  }
0x127: {  	v7 =	vld [tilespmem:$0x17820]  }
0x128: {  	v33 =	vld [tilespmem:s9+$0x16980];
	v2 =	vmul.f32 v5, v30;
	v0 =	vadd.f32 v4, v0  }
0x129: {  	v34 =	vld [tilespmem:$0x17830]  }
0x12a: {  	v36 =	vld [tilespmem:s9+$0x16A00];
	v35 =	vmul.f32 v6, v31;
	v0 =	vadd.f32 v2, v0  }
0x12b: {  	v37 =	vld [tilespmem:$0x17840]  }
0x12c: {  	v38 =	vld [tilespmem:s9+$0x16A80];
	v1 =	vmul.f32 v7, v32;
	v0 =	vadd.f32 v35, v0  }
0x12d: {  	v39 =	vld [tilespmem:$0x17850]  }
0x12e: {  	v41 =	vld [tilespmem:s9+$0x16B00];
	v40 =	vmul.f32 v34, v33;
	v0 =	vadd.f32 v1, v0  }
0x12f: {  	v42 =	vld [tilespmem:$0x17860]  }
0x130: {  	v44 =	vld [tilespmem:s9+$0x16B80];
	v43 =	vmul.f32 v37, v36;
	v0 =	vadd.f32 v40, v0  }
0x131: {  	v45 =	vld [tilespmem:$0x17870]  }
0x132: {  	v47 =	vld [tilespmem:s9+$0x16C00];
	v46 =	vmul.f32 v39, v38;
	v0 =	vadd.f32 v43, v0  }
0x133: {  	v48 =	vld [tilespmem:$0x17880]  }
0x134: {  	v50 =	vld [tilespmem:s9+$0x16C80];
	v49 =	vmul.f32 v42, v41;
	v0 =	vadd.f32 v46, v0  }
0x135: {  	v51 =	vld [tilespmem:$0x17890]  }
0x136: {  	v53 =	vld [tilespmem:s9+$0x16D00];
	v52 =	vmul.f32 v45, v44;
	v0 =	vadd.f32 v49, v0  }
0x137: {  	v54 =	vld [tilespmem:$0x178A0]  }
0x138: {  	v56 =	vld [tilespmem:s9+$0x16D80];
	v55 =	vmul.f32 v48, v47;
	v0 =	vadd.f32 v52, v0  }
0x139: {  	v57 =	vld [tilespmem:$0x178B0]  }
0x13a: {  	v59 =	vld [tilespmem:s9+$0x16E00];
	v58 =	vmul.f32 v51, v50;
	v0 =	vadd.f32 v55, v0  }
0x13b: {  	v60 =	vld [tilespmem:$0x178C0]  }
0x13c: {  	v61 =	vmul.f32 v54, v53;
	v0 =	vadd.f32 v58, v0;
	_ =	sdelay $0x1  }
0x13d: {  	v62 =	vmul.f32 v57, v56;
	v0 =	vadd.f32 v61, v0;
	_ =	sdelay $0x1  }
0x13e: {  	v63 =	vmul.f32 v60, v59;
	v0 =	vadd.f32 v62, v0;
	_ =	sdelay $0x1  }
0x13f: {  	v0 =	vadd.f32 v63, v0;
	_ =	sdelay $0x1  }
0x140: {  	v0 =	vsub.f32 $0.0e+00, v0;
	_ =	sdelay $0x1  }
0x141: {  	v0 =	vmul.f32 $1.442695020e+00, v0;
	_ =	sdelay $0x1  }
0x142: {  	(erf) = vpow2.f32 v0;
	_ =	sdelay $0x8  }
0x143: {  	v0 =	vpop (erf)  }
0x144: {  	v0 =	vadd.f32 $1.000000000e+00, v0;
	_ =	sdelay $0x1  }
0x145: {  	(erf) = vrcp.f32 v0;
	_ =	sdelay $0x3  }
0x146: {  	s7 =	sadd.s32 $0x1, s7  }
0x147: {  	p0 =	seq.s32 s7, $0x8  }
.Ltmp14:
0x148: {  	_ = 	snop;
	(pc) =	sbr.rel @!p0 .LBB2_28-.Ltmp14, $3  }
0x149: {  	_ =	sdelay $0x1  }
0x14a: {  	v0 =	vpop (erf)  }
0x14b: {  	s8 =	sadd.s32 $0x10, s8;
	[tilespmem:s9+$0x17980] =	vst v0  }
0x14c: {  	s7 =	simm.s32 $0x200;
	s8 =	simm.s32 $0xFC00;
	s9 =	simm.s32 $0x5800  }
.LBB2_32:
0x14d: {  	[tilespmem:s8], [sflag:$0x2] =	stream.indirect.gather [hbm4b:s5+s30], $0x1, s9, s30, $0xb8;
	[tilespmem:$0x17B80] =	vst v63  }
0x14e: {  	s8 =	smov.u32 s7;
	p0 =	sne.s32 s7, $0x12800  }
.Ltmp15:
0x14f: {  	s7 =	sadd.s32 $0x200, s7;
	(pc) =	sbr.rel @p0 .LBB2_32-.Ltmp15, $3  }
0x150: {  	_ =	sdelay $0x1  }
0x151: {  	s9 =	sshra.s32 s8, $0x2  }
0x152: {  	s8 =	sadd.s32 $0xFC00, s9;
	s9 =	sadd.s32 $0x5800, s9  }
0x153: {  	[tilespmem:s8], [sflag:$0x2] =	stream.indirect.gather [hbm4b:s5+s30], $0x1, s9, s30, $0xb8;
	[tilespmem:$0x17B80] =	vst v63  }
0x154: {  	s7 =	simm.s32 $0x15800  }
0x155: {  	[tilespmem:s7], [sflag:$0x2] =	stream.indirect.gather [hbm4b:s4+s30], $0x1, s25, s30, $0xb8;
	[tilespmem:$0x17B80] =	vst v63  }
0x156: {  	s8 =	simm.s32 $0x14880;
	s9 =	simm.s32 $0x15880  }
0x157: {  	[tilespmem:s9], [sflag:$0x2] =	stream.indirect.gather [hbm4b:s4+s30], $0x1, s8, s30, $0xb8;
	[tilespmem:$0x17B80] =	vst v63  }
0x158: {  	s10 =	simm.s32 $0x14900;
	s11 =	simm.s32 $0x15900  }
0x159: {  	[tilespmem:s11], [sflag:$0x2] =	stream.indirect.gather [hbm4b:s4+s30], $0x1, s10, s30, $0xb8;
	[tilespmem:$0x17B80] =	vst v63  }
0x15a: {  	s8 =	simm.s32 $0x14980;
	s9 =	simm.s32 $0x15980  }
0x15b: {  	[tilespmem:s9], [sflag:$0x2] =	stream.indirect.gather [hbm4b:s4+s30], $0x1, s8, s30, $0xb8;
	[tilespmem:$0x17B80] =	vst v63  }
0x15c: {  	s10 =	simm.s32 $0x14A00;
	s11 =	simm.s32 $0x15A00  }
0x15d: {  	[tilespmem:s11], [sflag:$0x2] =	stream.indirect.gather [hbm4b:s4+s30], $0x1, s10, s30, $0xb8;
	[tilespmem:$0x17B80] =	vst v63  }
0x15e: {  	s8 =	simm.s32 $0x14A80;
	s9 =	simm.s32 $0x15A80  }
0x15f: {  	[tilespmem:s9], [sflag:$0x2] =	stream.indirect.gather [hbm4b:s4+s30], $0x1, s8, s30, $0xb8;
	[tilespmem:$0x17B80] =	vst v63  }
0x160: {  	s10 =	simm.s32 $0x14B00;
	s11 =	simm.s32 $0x15B00  }
0x161: {  	[tilespmem:s11], [sflag:$0x2] =	stream.indirect.gather [hbm4b:s4+s30], $0x1, s10, s30, $0xb8;
	[tilespmem:$0x17B80] =	vst v63  }
0x162: {  	s8 =	simm.s32 $0x14B80;
	s9 =	simm.s32 $0x15B80  }
0x163: {  	[tilespmem:s9], [sflag:$0x2] =	stream.indirect.gather [hbm4b:s4+s30], $0x1, s8, s30, $0xb8;
	[tilespmem:$0x17B80] =	vst v63  }
0x164: {  	s10 =	simm.s32 $0x14C00;
	s11 =	simm.s32 $0x15C00  }
0x165: {  	[tilespmem:s11], [sflag:$0x2] =	stream.indirect.gather [hbm4b:s4+s30], $0x1, s10, s30, $0xb8;
	[tilespmem:$0x17B80] =	vst v63  }
0x166: {  	s8 =	simm.s32 $0x14C80;
	s9 =	simm.s32 $0x15C80  }
0x167: {  	[tilespmem:s9], [sflag:$0x2] =	stream.indirect.gather [hbm4b:s4+s30], $0x1, s8, s30, $0xb8;
	[tilespmem:$0x17B80] =	vst v63  }
0x168: {  	s10 =	simm.s32 $0x14D00;
	s11 =	simm.s32 $0x15D00  }
0x169: {  	[tilespmem:s11], [sflag:$0x2] =	stream.indirect.gather [hbm4b:s4+s30], $0x1, s10, s30, $0xb8;
	[tilespmem:$0x17B80] =	vst v63  }
0x16a: {  	s8 =	simm.s32 $0x14D80;
	s9 =	simm.s32 $0x15D80  }
0x16b: {  	[tilespmem:s9], [sflag:$0x2] =	stream.indirect.gather [hbm4b:s4+s30], $0x1, s8, s30, $0xb8;
	[tilespmem:$0x17B80] =	vst v63  }
0x16c: {  	s10 =	simm.s32 $0x14E00;
	s11 =	simm.s32 $0x15E00  }
0x16d: {  	[tilespmem:s11], [sflag:$0x2] =	stream.indirect.gather [hbm4b:s4+s30], $0x1, s10, s30, $0xb8;
	[tilespmem:$0x17B80] =	vst v63  }
0x16e: {  	s8 =	simm.s32 $0x14E80;
	s9 =	simm.s32 $0x15E80  }
0x16f: {  	[tilespmem:s9], [sflag:$0x2] =	stream.indirect.gather [hbm4b:s4+s30], $0x1, s8, s30, $0xb8;
	[tilespmem:$0x17B80] =	vst v63  }
0x170: {  	s10 =	simm.s32 $0x14F00;
	s11 =	simm.s32 $0x15F00  }
0x171: {  	[tilespmem:s11], [sflag:$0x2] =	stream.indirect.gather [hbm4b:s4+s30], $0x1, s10, s30, $0xb8;
	[tilespmem:$0x17B80] =	vst v63  }
0x172: {  	s8 =	simm.s32 $0x14F80;
	s9 =	simm.s32 $0x15F80  }
0x173: {  	[tilespmem:s9], [sflag:$0x2] =	stream.indirect.gather [hbm4b:s4+s30], $0x1, s8, s30, $0xb8;
	[tilespmem:$0x17B80] =	vst v63  }
0x174: {  	s10 =	simm.s32 $0x15000;
	s11 =	simm.s32 $0x16000  }
0x175: {  	[tilespmem:s11], [sflag:$0x2] =	stream.indirect.gather [hbm4b:s4+s30], $0x1, s10, s30, $0xb8;
	[tilespmem:$0x17B80] =	vst v63  }
0x176: {  	s8 =	simm.s32 $0x15080;
	s9 =	simm.s32 $0x16080  }
0x177: {  	[tilespmem:s9], [sflag:$0x2] =	stream.indirect.gather [hbm4b:s4+s30], $0x1, s8, s30, $0xb8;
	[tilespmem:$0x17B80] =	vst v63  }
0x178: {  	s10 =	simm.s32 $0x15100;
	s11 =	simm.s32 $0x16100  }
0x179: {  	[tilespmem:s11], [sflag:$0x2] =	stream.indirect.gather [hbm4b:s4+s30], $0x1, s10, s30, $0xb8;
	[tilespmem:$0x17B80] =	vst v63  }
0x17a: {  	_ = 	snop  }
0x17b: {  	[tilespmem:s24], [sflag:$0x2] =	stream.indirect.gather [hbm4b:s4+s30], $0x1, s12, s30, $0xb8;
	[tilespmem:$0x17B80] =	vst v63  }
0x17c: {  	_ = 	snop  }
0x17d: {  	[tilespmem:s14], [sflag:$0x2] =	stream.indirect.gather [hbm4b:s4+s30], $0x1, s13, s30, $0xb8;
	[tilespmem:$0x17B80] =	vst v63  }
0x17e: {  	_ = 	snop  }
0x17f: {  	[tilespmem:s16], [sflag:$0x2] =	stream.indirect.gather [hbm4b:s4+s30], $0x1, s15, s30, $0xb8;
	[tilespmem:$0x17B80] =	vst v63  }
0x180: {  	_ = 	snop  }
0x181: {  	[tilespmem:s31], [sflag:$0x2] =	stream.indirect.gather [hbm4b:s4+s30], $0x1, s17, s30, $0xb8;
	[tilespmem:$0x17B80] =	vst v63  }
0x182: {  	_ = 	snop  }
0x183: {  	[tilespmem:s2], [sflag:$0x2] =	stream.indirect.gather [hbm4b:s4+s30], $0x1, s0, s30, $0xb8;
	[tilespmem:$0x17B80] =	vst v63  }
0x184: {  	_ = 	snop  }
0x185: {  	[tilespmem:s20], [sflag:$0x2] =	stream.indirect.gather [hbm4b:s4+s30], $0x1, s26, s30, $0xb8;
	[tilespmem:$0x17B80] =	vst v63  }
0x186: {  	s7 =	simm.s32 $0xB0  }
0x187: {  	[tilespmem:s28], [sflag:$0x2] =	stream.indirect.gather [hbm4b:s4+s30], $0x1, s1, s30, $0xb8;
	[tilespmem:$0x17B80] =	vst v63  }
.LBB2_34:
0x188: {  	p0 =	sne.s32 s7, $0x1  }
.Ltmp16:
0x189: {  	_ = 	snop;
	(pc) =	sbr.rel @p0 .LBB2_34-.Ltmp16, $4  }
0x18a: {  	_ = 	snop  }
0x18b: {  	_ =	swait.ge [sflag:s29], $0x80  }
0x18c: {  	[sflag:s29] =	ssyncset.done $0x0  }
0x18d: {  	s7 =	sadd.s32 $0xFFFFFFFF, s7;
	[sflag:s29] =	ssyncadd.s32 $0xFFFFFF80  }
0x18e: {  	s8 =	simm.s32 $0x0  }
0x18f: {  	v0 =	vimm.f32 $0.0e+00;
	s7 =	simm.s32 $0x200;
	v1 =	vld [tilespmem:s8+$0xA400]  }
.LBB2_36:
0x190: {  	p0 =	sne.s32 s7, $0x15E00  }
.Ltmp17:
0x191: {  	_ = 	snop;
	(pc) =	sbr.rel @p0 .LBB2_36-.Ltmp17, $3  }
0x192: {  	_ =	sdelay $0x1  }
0x193: {  	s8 =	sshra.s32 s7, $0x2;
	s7 =	sadd.s32 $0x200, s7;
	v0 =	vadd.f32 v1, v0  }
0x194: {  	v1 =	vld [tilespmem:s8+$0xA400]  }
0x195: {  	_ =	sdelay $0x3  }
0x196: {  	v0 =	vadd.f32 v1, v0;
	_ =	sdelay $0x1  }
0x197: {  	s8 =	simm.s32 $0x10;
	[tilespmem:$0x17900] =	vst v0  }
0x198: {  	s7 =	simm.s32 $0x240;
	v0 =	vimm.f32 $0.0e+00;
	v1 =	vld [tilespmem:s8+$0xA400]  }
.LBB2_38:
0x199: {  	p0 =	sne.s32 s7, $0x15E40  }
.Ltmp18:
0x19a: {  	_ = 	snop;
	(pc) =	sbr.rel @p0 .LBB2_38-.Ltmp18, $3  }
0x19b: {  	_ =	sdelay $0x1  }
0x19c: {  	s8 =	sshra.s32 s7, $0x2;
	s7 =	sadd.s32 $0x200, s7;
	v0 =	vadd.f32 v1, v0  }
0x19d: {  	v1 =	vld [tilespmem:s8+$0xA400]  }
0x19e: {  	_ =	sdelay $0x3  }
0x19f: {  	v0 =	vadd.f32 v1, v0;
	_ =	sdelay $0x1  }
0x1a0: {  	s8 =	simm.s32 $0x20;
	[tilespmem:$0x17910] =	vst v0  }
0x1a1: {  	s7 =	simm.s32 $0x280;
	v0 =	vimm.f32 $0.0e+00;
	v1 =	vld [tilespmem:s8+$0xA400]  }
.LBB2_40:
0x1a2: {  	p0 =	sne.s32 s7, $0x15E80  }
.Ltmp19:
0x1a3: {  	_ = 	snop;
	(pc) =	sbr.rel @p0 .LBB2_40-.Ltmp19, $3  }
0x1a4: {  	_ =	sdelay $0x1  }
0x1a5: {  	s8 =	sshra.s32 s7, $0x2;
	s7 =	sadd.s32 $0x200, s7;
	v0 =	vadd.f32 v1, v0  }
0x1a6: {  	v1 =	vld [tilespmem:s8+$0xA400]  }
0x1a7: {  	_ =	sdelay $0x3  }
0x1a8: {  	v0 =	vadd.f32 v1, v0;
	_ =	sdelay $0x1  }
0x1a9: {  	s8 =	simm.s32 $0x30;
	[tilespmem:$0x17920] =	vst v0  }
0x1aa: {  	s7 =	simm.s32 $0x2C0;
	v0 =	vimm.f32 $0.0e+00;
	v1 =	vld [tilespmem:s8+$0xA400]  }
.LBB2_42:
0x1ab: {  	p0 =	sne.s32 s7, $0x15EC0  }
.Ltmp20:
0x1ac: {  	_ = 	snop;
	(pc) =	sbr.rel @p0 .LBB2_42-.Ltmp20, $3  }
0x1ad: {  	_ =	sdelay $0x1  }
0x1ae: {  	s8 =	sshra.s32 s7, $0x2;
	s7 =	sadd.s32 $0x200, s7;
	v0 =	vadd.f32 v1, v0  }
0x1af: {  	v1 =	vld [tilespmem:s8+$0xA400]  }
0x1b0: {  	_ =	sdelay $0x3  }
0x1b1: {  	v0 =	vadd.f32 v1, v0;
	_ =	sdelay $0x1  }
0x1b2: {  	s8 =	simm.s32 $0x40;
	[tilespmem:$0x17930] =	vst v0  }
0x1b3: {  	s7 =	simm.s32 $0x300;
	v0 =	vimm.f32 $0.0e+00;
	v1 =	vld [tilespmem:s8+$0xA400]  }
.LBB2_44:
0x1b4: {  	p0 =	sne.s32 s7, $0x15F00  }
.Ltmp21:
0x1b5: {  	_ = 	snop;
	(pc) =	sbr.rel @p0 .LBB2_44-.Ltmp21, $3  }
0x1b6: {  	_ =	sdelay $0x1  }
0x1b7: {  	s8 =	sshra.s32 s7, $0x2;
	s7 =	sadd.s32 $0x200, s7;
	v0 =	vadd.f32 v1, v0  }
0x1b8: {  	v1 =	vld [tilespmem:s8+$0xA400]  }
0x1b9: {  	_ =	sdelay $0x3  }
0x1ba: {  	v0 =	vadd.f32 v1, v0;
	_ =	sdelay $0x1  }
0x1bb: {  	s8 =	simm.s32 $0x50;
	[tilespmem:$0x17940] =	vst v0  }
0x1bc: {  	s7 =	simm.s32 $0x340;
	v0 =	vimm.f32 $0.0e+00;
	v1 =	vld [tilespmem:s8+$0xA400]  }
.LBB2_46:
0x1bd: {  	p0 =	sne.s32 s7, $0x15F40  }
.Ltmp22:
0x1be: {  	_ = 	snop;
	(pc) =	sbr.rel @p0 .LBB2_46-.Ltmp22, $3  }
0x1bf: {  	_ =	sdelay $0x1  }
0x1c0: {  	s8 =	sshra.s32 s7, $0x2;
	s7 =	sadd.s32 $0x200, s7;
	v0 =	vadd.f32 v1, v0  }
0x1c1: {  	v1 =	vld [tilespmem:s8+$0xA400]  }
0x1c2: {  	_ =	sdelay $0x3  }
0x1c3: {  	v0 =	vadd.f32 v1, v0;
	_ =	sdelay $0x1  }
0x1c4: {  	s8 =	simm.s32 $0x60;
	[tilespmem:$0x17950] =	vst v0  }
0x1c5: {  	s7 =	simm.s32 $0x380;
	v0 =	vimm.f32 $0.0e+00;
	v1 =	vld [tilespmem:s8+$0xA400]  }
.LBB2_48:
0x1c6: {  	p0 =	sne.s32 s7, $0x15F80  }
.Ltmp23:
0x1c7: {  	_ = 	snop;
	(pc) =	sbr.rel @p0 .LBB2_48-.Ltmp23, $3  }
0x1c8: {  	_ =	sdelay $0x1  }
0x1c9: {  	s8 =	sshra.s32 s7, $0x2;
	s7 =	sadd.s32 $0x200, s7;
	v0 =	vadd.f32 v1, v0  }
0x1ca: {  	v1 =	vld [tilespmem:s8+$0xA400]  }
0x1cb: {  	_ =	sdelay $0x3  }
0x1cc: {  	v0 =	vadd.f32 v1, v0;
	_ =	sdelay $0x1  }
0x1cd: {  	s8 =	simm.s32 $0x70;
	[tilespmem:$0x17960] =	vst v0  }
0x1ce: {  	s7 =	simm.s32 $0x3C0;
	v0 =	vimm.f32 $0.0e+00;
	v1 =	vld [tilespmem:s8+$0xA400]  }
.LBB2_50:
0x1cf: {  	p0 =	sne.s32 s7, $0x15FC0  }
.Ltmp24:
0x1d0: {  	_ = 	snop;
	(pc) =	sbr.rel @p0 .LBB2_50-.Ltmp24, $3  }
0x1d1: {  	_ =	sdelay $0x1  }
0x1d2: {  	s8 =	sshra.s32 s7, $0x2;
	s7 =	sadd.s32 $0x200, s7;
	v0 =	vadd.f32 v1, v0  }
0x1d3: {  	v1 =	vld [tilespmem:s8+$0xA400]  }
0x1d4: {  	_ =	sdelay $0x3  }
0x1d5: {  	v0 =	vadd.f32 v1, v0;
	_ =	sdelay $0x1  }
0x1d6: {  	[tilespmem:$0x17970] =	vst v0  }
0x1d7: {  	_ =	swait.ge [sflag:s18], $0x80  }
0x1d8: {  	s7 =	simm.s32 $0xAE;
	[sflag:s18] =	ssyncset.done $0x0  }
.LBB2_52:
0x1d9: {  	p0 =	sne.s32 s7, $0x1;
	s7 =	sadd.s32 $0xFFFFFFFF, s7;
	[sflag:s18] =	ssyncadd.s32 $0xFFFFFF80  }
.Ltmp25:
0x1da: {  	(pc) =	sbr.rel @p0 .LBB2_52-.Ltmp25, $3  }
0x1db: {  	_ =	sdelay $0x1  }
0x1dc: {  	_ =	swait.ge [sflag:s18], $0x80  }
0x1dd: {  	[sflag:s18] =	ssyncset.done $0x0  }
0x1de: {  	[sflag:s18] =	ssyncadd.s32 $0xFFFFFF80;
	s7 =	simm.s32 $0x0;
	s8 =	rddreg [dreg:$0xc]  }
0x1df: {  	[tilespmem:s7], [sflag:$0x3] =	stream.strided.gather [hbm4b:s8+s22], $0xA000, s23, s22, $0x38;
	[tilespmem:$0x17B80] =	vst v63  }
0x1e0: {  	s9 =	simm.s32 $0xA000;
	s8 =	sadd.s32 $0xA0000, s8  }
0x1e1: {  	[tilespmem:s9], [sflag:$0x3] =	stream.linear.gather [hbm4b:s8+s7], $0x280, $0x38;
	[tilespmem:$0x17B80] =	vst v63  }
0x1e2: {  	s10 =	rddreg [dreg:$0xd]  }
0x1e3: {  	[tilespmem:s25], [sflag:$0x3] =	stream.strided.gather [hbm4b:s10+s22], $0xC00, s23, s22, $0x38;
	[tilespmem:$0x17B80] =	vst v63  }
0x1e4: {  	s8 =	sadd.s32 $0xC000, s10  }
0x1e5: {  	[tilespmem:s26], [sflag:$0x3] =	stream.linear.gather [hbm4b:s8+s7], $0x100, $0x38;
	[tilespmem:$0x17B80] =	vst v63  }
0x1e6: {  	s11 =	rddreg [dreg:$0xe];
	s10 =	simm.s32 $0x16800  }
0x1e7: {  	[tilespmem:s10], [sflag:$0x3] =	stream.linear.gather [hbm4b:s11+s7], $0x400, $0x38;
	[tilespmem:$0x17B80] =	vst v63  }
0x1e8: {  	s8 =	sadd.s32 $0x4000, s11;
	s11 =	simm.s32 $0x16C00  }
0x1e9: {  	[tilespmem:s11], [sflag:$0x3] =	stream.linear.gather [hbm4b:s8+s7], $0x280, $0x38;
	[tilespmem:$0x17B80] =	vst v63  }
0x1ea: {  	_ =	swait.ge [sflag:s19], $0xA280  }
0x1eb: {  	[sflag:s19] =	ssyncset.done $0x0  }
0x1ec: {  	[sflag:s19] =	ssyncadd.s32 $0xFFFF5D80  }
0x1ed: {  	_ =	swait.ge [sflag:s19], $0xD00  }
0x1ee: {  	[sflag:s19] =	ssyncset.done $0x0  }
0x1ef: {  	[sflag:s19] =	ssyncadd.s32 $0xFFFFF300  }
0x1f0: {  	_ =	swait.ge [sflag:s19], $0x680  }
0x1f1: {  	[sflag:s19] =	ssyncset.done $0x0  }
0x1f2: {  	s8 =	simm.s32 $0x0;
	[sflag:s19] =	ssyncadd.s32 $0xFFFFF980  }
.LBB2_54:
0x1f3: {  	p0 =	sne.s32 s8, $0x15E00  }
.Ltmp26:
0x1f4: {  	_ = 	snop;
	(pc) =	sbr.rel @p0 .LBB2_54-.Ltmp26, $4  }
0x1f5: {  	_ = 	snop  }
0x1f6: {  	s9 =	sshra.s32 s8, $0x2  }
0x1f7: {  	s8 =	sadd.s32 $0x200, s8;
	s10 =	sadd.s32 $0xA400, s9  }
0x1f8: {  	[tilespmem:s10], [sflag:$0x1] =	stream.indirect.gather [hbm4b:s5+s30], $0x1, s9, s30, $0xb8;
	[tilespmem:$0x17B80] =	vst v63  }
0x1f9: {  	s8 =	simm.s32 $0xFC00  }
.LBB2_56:
0x1fa: {  	v1 =	vmov s8;
	_ =	sdelay $0x2  }
0x1fb: {  	s9 =	sshll.u32 s7, $0x4  }
0x1fc: {  	s11 =	simm.s32 $0x0;
	v0 =	vld [tilespmem:s9+$0x17900]  }
0x1fd: {  	s10 =	simm.s32 $0x200;
	v2 =	vld.idx.msk [tilespmem:v1+s11+$0x0 ss:$0x1], $0xffff  }
.LBB2_57:
0x1fe: {  	p0 =	seq.s32 s10, $0x12800  }
.Ltmp27:
0x1ff: {  	_ = 	snop;
	(pc) =	sbr.rel @!p0 .LBB2_57-.Ltmp27, $3  }
0x200: {  	_ =	sdelay $0x1  }
0x201: {  	s11 =	sshra.s32 s10, $0x2;
	s10 =	sadd.s32 $0x200, s10  }
0x202: {  	v0 =	vadd.f32 v2, v0;
	v2 =	vld.idx.msk [tilespmem:v1+s11+$0x0 ss:$0x1], $0xffff  }
0x203: {  	_ = 	snop  }
0x204: {  	v1 =	vld [tilespmem:s9+$0x15800];
	_ =	sdelay $0x1  }
0x205: {  	v7 =	vld [tilespmem:s9+$0x15880]  }
0x206: {  	v0 =	vadd.f32 v2, v0  }
0x207: {  	v3 =	vld [tilespmem:s9+$0x15900]  }
0x208: {  	v0 =	vadd.f32 v1, v0  }
0x209: {  	v8 =	vld [tilespmem:s9+$0x15980]  }
0x20a: {  	v0 =	vadd.f32 v7, v0  }
0x20b: {  	v9 =	vld [tilespmem:s9+$0x15A00]  }
0x20c: {  	v0 =	vadd.f32 v3, v0  }
0x20d: {  	v10 =	vld [tilespmem:s9+$0x15A80]  }
0x20e: {  	v0 =	vadd.f32 v8, v0  }
0x20f: {  	v11 =	vld [tilespmem:s9+$0x15B00]  }
0x210: {  	v0 =	vadd.f32 v9, v0  }
0x211: {  	v12 =	vld [tilespmem:s9+$0x15B80]  }
0x212: {  	v0 =	vadd.f32 v10, v0  }
0x213: {  	v13 =	vld [tilespmem:s9+$0x15C00]  }
0x214: {  	v0 =	vadd.f32 v11, v0  }
0x215: {  	v14 =	vld [tilespmem:s9+$0x15C80]  }
0x216: {  	v0 =	vadd.f32 v12, v0  }
0x217: {  	v15 =	vld [tilespmem:s9+$0x15D00]  }
0x218: {  	v0 =	vadd.f32 v13, v0  }
0x219: {  	v16 =	vld [tilespmem:s9+$0x15D80]  }
0x21a: {  	v0 =	vadd.f32 v14, v0  }
0x21b: {  	v17 =	vld [tilespmem:s9+$0x15E00]  }
0x21c: {  	v0 =	vadd.f32 v15, v0  }
0x21d: {  	v18 =	vld [tilespmem:s9+$0x15E80]  }
0x21e: {  	v0 =	vadd.f32 v16, v0  }
0x21f: {  	v19 =	vld [tilespmem:s9+$0x15F00]  }
0x220: {  	v0 =	vadd.f32 v17, v0  }
0x221: {  	v20 =	vld [tilespmem:s9+$0x15F80]  }
0x222: {  	v0 =	vadd.f32 v18, v0  }
0x223: {  	v21 =	vld [tilespmem:s9+$0x16000]  }
0x224: {  	v0 =	vadd.f32 v19, v0  }
0x225: {  	v22 =	vld [tilespmem:s9+$0x16080]  }
0x226: {  	v0 =	vadd.f32 v20, v0  }
0x227: {  	v23 =	vld [tilespmem:s9+$0x16100]  }
0x228: {  	v0 =	vadd.f32 v21, v0  }
0x229: {  	v24 =	vld [tilespmem:s9+$0x16180]  }
0x22a: {  	v0 =	vadd.f32 v22, v0  }
0x22b: {  	v25 =	vld [tilespmem:s9+$0x16200]  }
0x22c: {  	v0 =	vadd.f32 v23, v0  }
0x22d: {  	v26 =	vld [tilespmem:s9+$0x16280]  }
0x22e: {  	v0 =	vadd.f32 v24, v0  }
0x22f: {  	v27 =	vld [tilespmem:s9+$0x16300]  }
0x230: {  	v0 =	vadd.f32 v25, v0  }
0x231: {  	v28 =	vld [tilespmem:s9+$0x16380]  }
0x232: {  	v29 =	vld [tilespmem:s9+$0x16400];
	v0 =	vadd.f32 v26, v0  }
0x233: {  	v4 =	vld [tilespmem:s9+$0x16480]  }
0x234: {  	v30 =	vld [tilespmem:s9+$0x16E80];
	v0 =	vadd.f32 v27, v0  }
0x235: {  	v5 =	vld [tilespmem:$0x17800]  }
0x236: {  	v31 =	vld [tilespmem:s9+$0x16F00];
	v0 =	vadd.f32 v28, v0  }
0x237: {  	v6 =	vld [tilespmem:$0x17810]  }
0x238: {  	v32 =	vld [tilespmem:s9+$0x16F80];
	v0 =	vadd.f32 v29, v0  }
0x239: {  	v7 =	vld [tilespmem:$0x17820]  }
0x23a: {  	v33 =	vld [tilespmem:s9+$0x17000];
	v2 =	vmul.f32 v5, v30;
	v0 =	vadd.f32 v4, v0  }
0x23b: {  	v34 =	vld [tilespmem:$0x17830]  }
0x23c: {  	v36 =	vld [tilespmem:s9+$0x17080];
	v35 =	vmul.f32 v6, v31;
	v0 =	vadd.f32 v2, v0  }
0x23d: {  	v37 =	vld [tilespmem:$0x17840]  }
0x23e: {  	v38 =	vld [tilespmem:s9+$0x17100];
	v1 =	vmul.f32 v7, v32;
	v0 =	vadd.f32 v35, v0  }
0x23f: {  	v39 =	vld [tilespmem:$0x17850]  }
0x240: {  	v41 =	vld [tilespmem:s9+$0x17180];
	v40 =	vmul.f32 v34, v33;
	v0 =	vadd.f32 v1, v0  }
0x241: {  	v42 =	vld [tilespmem:$0x17860]  }
0x242: {  	v44 =	vld [tilespmem:s9+$0x17200];
	v43 =	vmul.f32 v37, v36;
	v0 =	vadd.f32 v40, v0  }
0x243: {  	v45 =	vld [tilespmem:$0x17870]  }
0x244: {  	v47 =	vld [tilespmem:s9+$0x17280];
	v46 =	vmul.f32 v39, v38;
	v0 =	vadd.f32 v43, v0  }
0x245: {  	v48 =	vld [tilespmem:$0x17880]  }
0x246: {  	v50 =	vld [tilespmem:s9+$0x17300];
	v49 =	vmul.f32 v42, v41;
	v0 =	vadd.f32 v46, v0  }
0x247: {  	v51 =	vld [tilespmem:$0x17890]  }
0x248: {  	v53 =	vld [tilespmem:s9+$0x17380];
	v52 =	vmul.f32 v45, v44;
	v0 =	vadd.f32 v49, v0  }
0x249: {  	v54 =	vld [tilespmem:$0x178A0]  }
0x24a: {  	v56 =	vld [tilespmem:s9+$0x17400];
	v55 =	vmul.f32 v48, v47;
	v0 =	vadd.f32 v52, v0  }
0x24b: {  	v57 =	vld [tilespmem:$0x178B0]  }
0x24c: {  	v59 =	vld [tilespmem:s9+$0x17480];
	v58 =	vmul.f32 v51, v50;
	v0 =	vadd.f32 v55, v0  }
0x24d: {  	v60 =	vld [tilespmem:$0x178C0]  }
0x24e: {  	v61 =	vmul.f32 v54, v53;
	v0 =	vadd.f32 v58, v0;
	_ =	sdelay $0x1  }
0x24f: {  	v62 =	vmul.f32 v57, v56;
	v0 =	vadd.f32 v61, v0;
	_ =	sdelay $0x1  }
0x250: {  	v63 =	vmul.f32 v60, v59;
	v0 =	vadd.f32 v62, v0;
	_ =	sdelay $0x1  }
0x251: {  	v0 =	vadd.f32 v63, v0;
	_ =	sdelay $0x1  }
0x252: {  	v0 =	vsub.f32 $0.0e+00, v0;
	_ =	sdelay $0x1  }
0x253: {  	v0 =	vmul.f32 $1.442695020e+00, v0;
	_ =	sdelay $0x1  }
0x254: {  	(erf) = vpow2.f32 v0;
	_ =	sdelay $0x8  }
0x255: {  	v0 =	vpop (erf)  }
0x256: {  	v0 =	vadd.f32 $1.000000000e+00, v0;
	_ =	sdelay $0x1  }
0x257: {  	(erf) = vrcp.f32 v0;
	_ =	sdelay $0x3  }
0x258: {  	s7 =	sadd.s32 $0x1, s7  }
0x259: {  	p0 =	seq.s32 s7, $0x8  }
.Ltmp28:
0x25a: {  	_ = 	snop;
	(pc) =	sbr.rel @!p0 .LBB2_56-.Ltmp28, $3  }
0x25b: {  	_ =	sdelay $0x1  }
0x25c: {  	v0 =	vpop (erf)  }
0x25d: {  	s8 =	sadd.s32 $0x10, s8;
	[tilespmem:s9+$0x17A00] =	vst v0  }
0x25e: {  	s7 =	simm.s32 $0x200;
	s8 =	simm.s32 $0xFC00;
	s9 =	simm.s32 $0x5800  }
.LBB2_60:
0x25f: {  	[tilespmem:s8], [sflag:$0x2] =	stream.indirect.gather [hbm4b:s5+s30], $0x1, s9, s30, $0xb8;
	[tilespmem:$0x17B80] =	vst v63  }
0x260: {  	s8 =	smov.u32 s7;
	p0 =	sne.s32 s7, $0x12800  }
.Ltmp29:
0x261: {  	s7 =	sadd.s32 $0x200, s7;
	(pc) =	sbr.rel @p0 .LBB2_60-.Ltmp29, $3  }
0x262: {  	_ =	sdelay $0x1  }
0x263: {  	s9 =	sshra.s32 s8, $0x2  }
0x264: {  	s8 =	sadd.s32 $0xFC00, s9;
	s9 =	sadd.s32 $0x5800, s9  }
0x265: {  	[tilespmem:s8], [sflag:$0x2] =	stream.indirect.gather [hbm4b:s5+s30], $0x1, s9, s30, $0xb8;
	[tilespmem:$0x17B80] =	vst v63  }
0x266: {  	s7 =	simm.s32 $0x15800  }
0x267: {  	[tilespmem:s7], [sflag:$0x2] =	stream.indirect.gather [hbm4b:s4+s30], $0x1, s25, s30, $0xb8;
	[tilespmem:$0x17B80] =	vst v63  }
0x268: {  	s8 =	simm.s32 $0x14880;
	s9 =	simm.s32 $0x15880  }
0x269: {  	[tilespmem:s9], [sflag:$0x2] =	stream.indirect.gather [hbm4b:s4+s30], $0x1, s8, s30, $0xb8;
	[tilespmem:$0x17B80] =	vst v63  }
0x26a: {  	s10 =	simm.s32 $0x14900;
	s11 =	simm.s32 $0x15900  }
0x26b: {  	[tilespmem:s11], [sflag:$0x2] =	stream.indirect.gather [hbm4b:s4+s30], $0x1, s10, s30, $0xb8;
	[tilespmem:$0x17B80] =	vst v63  }
0x26c: {  	s8 =	simm.s32 $0x14980;
	s9 =	simm.s32 $0x15980  }
0x26d: {  	[tilespmem:s9], [sflag:$0x2] =	stream.indirect.gather [hbm4b:s4+s30], $0x1, s8, s30, $0xb8;
	[tilespmem:$0x17B80] =	vst v63  }
0x26e: {  	s10 =	simm.s32 $0x14A00;
	s11 =	simm.s32 $0x15A00  }
0x26f: {  	[tilespmem:s11], [sflag:$0x2] =	stream.indirect.gather [hbm4b:s4+s30], $0x1, s10, s30, $0xb8;
	[tilespmem:$0x17B80] =	vst v63  }
0x270: {  	s8 =	simm.s32 $0x14A80;
	s9 =	simm.s32 $0x15A80  }
0x271: {  	[tilespmem:s9], [sflag:$0x2] =	stream.indirect.gather [hbm4b:s4+s30], $0x1, s8, s30, $0xb8;
	[tilespmem:$0x17B80] =	vst v63  }
0x272: {  	s10 =	simm.s32 $0x14B00;
	s11 =	simm.s32 $0x15B00  }
0x273: {  	[tilespmem:s11], [sflag:$0x2] =	stream.indirect.gather [hbm4b:s4+s30], $0x1, s10, s30, $0xb8;
	[tilespmem:$0x17B80] =	vst v63  }
0x274: {  	s8 =	simm.s32 $0x14B80;
	s9 =	simm.s32 $0x15B80  }
0x275: {  	[tilespmem:s9], [sflag:$0x2] =	stream.indirect.gather [hbm4b:s4+s30], $0x1, s8, s30, $0xb8;
	[tilespmem:$0x17B80] =	vst v63  }
0x276: {  	s10 =	simm.s32 $0x14C00;
	s11 =	simm.s32 $0x15C00  }
0x277: {  	[tilespmem:s11], [sflag:$0x2] =	stream.indirect.gather [hbm4b:s4+s30], $0x1, s10, s30, $0xb8;
	[tilespmem:$0x17B80] =	vst v63  }
0x278: {  	s8 =	simm.s32 $0x14C80;
	s9 =	simm.s32 $0x15C80  }
0x279: {  	[tilespmem:s9], [sflag:$0x2] =	stream.indirect.gather [hbm4b:s4+s30], $0x1, s8, s30, $0xb8;
	[tilespmem:$0x17B80] =	vst v63  }
0x27a: {  	s10 =	simm.s32 $0x14D00;
	s11 =	simm.s32 $0x15D00  }
0x27b: {  	[tilespmem:s11], [sflag:$0x2] =	stream.indirect.gather [hbm4b:s4+s30], $0x1, s10, s30, $0xb8;
	[tilespmem:$0x17B80] =	vst v63  }
0x27c: {  	s8 =	simm.s32 $0x14D80;
	s9 =	simm.s32 $0x15D80  }
0x27d: {  	[tilespmem:s9], [sflag:$0x2] =	stream.indirect.gather [hbm4b:s4+s30], $0x1, s8, s30, $0xb8;
	[tilespmem:$0x17B80] =	vst v63  }
0x27e: {  	s10 =	simm.s32 $0x14E00;
	s11 =	simm.s32 $0x15E00  }
0x27f: {  	[tilespmem:s11], [sflag:$0x2] =	stream.indirect.gather [hbm4b:s4+s30], $0x1, s10, s30, $0xb8;
	[tilespmem:$0x17B80] =	vst v63  }
0x280: {  	s8 =	simm.s32 $0x14E80;
	s9 =	simm.s32 $0x15E80  }
0x281: {  	[tilespmem:s9], [sflag:$0x2] =	stream.indirect.gather [hbm4b:s4+s30], $0x1, s8, s30, $0xb8;
	[tilespmem:$0x17B80] =	vst v63  }
0x282: {  	s10 =	simm.s32 $0x14F00;
	s11 =	simm.s32 $0x15F00  }
0x283: {  	[tilespmem:s11], [sflag:$0x2] =	stream.indirect.gather [hbm4b:s4+s30], $0x1, s10, s30, $0xb8;
	[tilespmem:$0x17B80] =	vst v63  }
0x284: {  	s8 =	simm.s32 $0x14F80;
	s9 =	simm.s32 $0x15F80  }
0x285: {  	[tilespmem:s9], [sflag:$0x2] =	stream.indirect.gather [hbm4b:s4+s30], $0x1, s8, s30, $0xb8;
	[tilespmem:$0x17B80] =	vst v63  }
0x286: {  	s10 =	simm.s32 $0x15000;
	s11 =	simm.s32 $0x16000  }
0x287: {  	[tilespmem:s11], [sflag:$0x2] =	stream.indirect.gather [hbm4b:s4+s30], $0x1, s10, s30, $0xb8;
	[tilespmem:$0x17B80] =	vst v63  }
0x288: {  	s8 =	simm.s32 $0x15080;
	s9 =	simm.s32 $0x16080  }
0x289: {  	[tilespmem:s9], [sflag:$0x2] =	stream.indirect.gather [hbm4b:s4+s30], $0x1, s8, s30, $0xb8;
	[tilespmem:$0x17B80] =	vst v63  }
0x28a: {  	s10 =	simm.s32 $0x15100;
	s11 =	simm.s32 $0x16100  }
0x28b: {  	[tilespmem:s11], [sflag:$0x2] =	stream.indirect.gather [hbm4b:s4+s30], $0x1, s10, s30, $0xb8;
	[tilespmem:$0x17B80] =	vst v63  }
0x28c: {  	_ = 	snop  }
0x28d: {  	[tilespmem:s24], [sflag:$0x2] =	stream.indirect.gather [hbm4b:s4+s30], $0x1, s12, s30, $0xb8;
	[tilespmem:$0x17B80] =	vst v63  }
0x28e: {  	_ = 	snop  }
0x28f: {  	[tilespmem:s14], [sflag:$0x2] =	stream.indirect.gather [hbm4b:s4+s30], $0x1, s13, s30, $0xb8;
	[tilespmem:$0x17B80] =	vst v63  }
0x290: {  	_ = 	snop  }
0x291: {  	[tilespmem:s16], [sflag:$0x2] =	stream.indirect.gather [hbm4b:s4+s30], $0x1, s15, s30, $0xb8;
	[tilespmem:$0x17B80] =	vst v63  }
0x292: {  	_ = 	snop  }
0x293: {  	[tilespmem:s31], [sflag:$0x2] =	stream.indirect.gather [hbm4b:s4+s30], $0x1, s17, s30, $0xb8;
	[tilespmem:$0x17B80] =	vst v63  }
0x294: {  	_ = 	snop  }
0x295: {  	[tilespmem:s2], [sflag:$0x2] =	stream.indirect.gather [hbm4b:s4+s30], $0x1, s0, s30, $0xb8;
	[tilespmem:$0x17B80] =	vst v63  }
0x296: {  	_ = 	snop  }
0x297: {  	[tilespmem:s20], [sflag:$0x2] =	stream.indirect.gather [hbm4b:s4+s30], $0x1, s26, s30, $0xb8;
	[tilespmem:$0x17B80] =	vst v63  }
0x298: {  	s7 =	simm.s32 $0xB0  }
0x299: {  	[tilespmem:s28], [sflag:$0x2] =	stream.indirect.gather [hbm4b:s4+s30], $0x1, s1, s30, $0xb8;
	[tilespmem:$0x17B80] =	vst v63  }
.LBB2_62:
0x29a: {  	p0 =	sne.s32 s7, $0x1  }
.Ltmp30:
0x29b: {  	_ = 	snop;
	(pc) =	sbr.rel @p0 .LBB2_62-.Ltmp30, $4  }
0x29c: {  	_ = 	snop  }
0x29d: {  	_ =	swait.ge [sflag:s29], $0x80  }
0x29e: {  	[sflag:s29] =	ssyncset.done $0x0  }
0x29f: {  	s7 =	sadd.s32 $0xFFFFFFFF, s7;
	[sflag:s29] =	ssyncadd.s32 $0xFFFFFF80  }
0x2a0: {  	s8 =	simm.s32 $0x0  }
0x2a1: {  	v0 =	vimm.f32 $0.0e+00;
	s7 =	simm.s32 $0x200;
	v1 =	vld [tilespmem:s8+$0xA400]  }
.LBB2_64:
0x2a2: {  	p0 =	sne.s32 s7, $0x15E00  }
.Ltmp31:
0x2a3: {  	_ = 	snop;
	(pc) =	sbr.rel @p0 .LBB2_64-.Ltmp31, $3  }
0x2a4: {  	_ =	sdelay $0x1  }
0x2a5: {  	s8 =	sshra.s32 s7, $0x2;
	s7 =	sadd.s32 $0x200, s7;
	v0 =	vadd.f32 v1, v0  }
0x2a6: {  	v1 =	vld [tilespmem:s8+$0xA400]  }
0x2a7: {  	_ =	sdelay $0x3  }
0x2a8: {  	v0 =	vadd.f32 v1, v0;
	_ =	sdelay $0x1  }
0x2a9: {  	s8 =	simm.s32 $0x10;
	[tilespmem:$0x17900] =	vst v0  }
0x2aa: {  	s7 =	simm.s32 $0x240;
	v0 =	vimm.f32 $0.0e+00;
	v1 =	vld [tilespmem:s8+$0xA400]  }
.LBB2_66:
0x2ab: {  	p0 =	sne.s32 s7, $0x15E40  }
.Ltmp32:
0x2ac: {  	_ = 	snop;
	(pc) =	sbr.rel @p0 .LBB2_66-.Ltmp32, $3  }
0x2ad: {  	_ =	sdelay $0x1  }
0x2ae: {  	s8 =	sshra.s32 s7, $0x2;
	s7 =	sadd.s32 $0x200, s7;
	v0 =	vadd.f32 v1, v0  }
0x2af: {  	v1 =	vld [tilespmem:s8+$0xA400]  }
0x2b0: {  	_ =	sdelay $0x3  }
0x2b1: {  	v0 =	vadd.f32 v1, v0;
	_ =	sdelay $0x1  }
0x2b2: {  	s8 =	simm.s32 $0x20;
	[tilespmem:$0x17910] =	vst v0  }
0x2b3: {  	s7 =	simm.s32 $0x280;
	v0 =	vimm.f32 $0.0e+00;
	v1 =	vld [tilespmem:s8+$0xA400]  }
.LBB2_68:
0x2b4: {  	p0 =	sne.s32 s7, $0x15E80  }
.Ltmp33:
0x2b5: {  	_ = 	snop;
	(pc) =	sbr.rel @p0 .LBB2_68-.Ltmp33, $3  }
0x2b6: {  	_ =	sdelay $0x1  }
0x2b7: {  	s8 =	sshra.s32 s7, $0x2;
	s7 =	sadd.s32 $0x200, s7;
	v0 =	vadd.f32 v1, v0  }
0x2b8: {  	v1 =	vld [tilespmem:s8+$0xA400]  }
0x2b9: {  	_ =	sdelay $0x3  }
0x2ba: {  	v0 =	vadd.f32 v1, v0;
	_ =	sdelay $0x1  }
0x2bb: {  	s8 =	simm.s32 $0x30;
	[tilespmem:$0x17920] =	vst v0  }
0x2bc: {  	s7 =	simm.s32 $0x2C0;
	v0 =	vimm.f32 $0.0e+00;
	v1 =	vld [tilespmem:s8+$0xA400]  }
.LBB2_70:
0x2bd: {  	p0 =	sne.s32 s7, $0x15EC0  }
.Ltmp34:
0x2be: {  	_ = 	snop;
	(pc) =	sbr.rel @p0 .LBB2_70-.Ltmp34, $3  }
0x2bf: {  	_ =	sdelay $0x1  }
0x2c0: {  	s8 =	sshra.s32 s7, $0x2;
	s7 =	sadd.s32 $0x200, s7;
	v0 =	vadd.f32 v1, v0  }
0x2c1: {  	v1 =	vld [tilespmem:s8+$0xA400]  }
0x2c2: {  	_ =	sdelay $0x3  }
0x2c3: {  	v0 =	vadd.f32 v1, v0;
	_ =	sdelay $0x1  }
0x2c4: {  	s8 =	simm.s32 $0x40;
	[tilespmem:$0x17930] =	vst v0  }
0x2c5: {  	s7 =	simm.s32 $0x300;
	v0 =	vimm.f32 $0.0e+00;
	v1 =	vld [tilespmem:s8+$0xA400]  }
.LBB2_72:
0x2c6: {  	p0 =	sne.s32 s7, $0x15F00  }
.Ltmp35:
0x2c7: {  	_ = 	snop;
	(pc) =	sbr.rel @p0 .LBB2_72-.Ltmp35, $3  }
0x2c8: {  	_ =	sdelay $0x1  }
0x2c9: {  	s8 =	sshra.s32 s7, $0x2;
	s7 =	sadd.s32 $0x200, s7;
	v0 =	vadd.f32 v1, v0  }
0x2ca: {  	v1 =	vld [tilespmem:s8+$0xA400]  }
0x2cb: {  	_ =	sdelay $0x3  }
0x2cc: {  	v0 =	vadd.f32 v1, v0;
	_ =	sdelay $0x1  }
0x2cd: {  	s8 =	simm.s32 $0x50;
	[tilespmem:$0x17940] =	vst v0  }
0x2ce: {  	s7 =	simm.s32 $0x340;
	v0 =	vimm.f32 $0.0e+00;
	v1 =	vld [tilespmem:s8+$0xA400]  }
.LBB2_74:
0x2cf: {  	p0 =	sne.s32 s7, $0x15F40  }
.Ltmp36:
0x2d0: {  	_ = 	snop;
	(pc) =	sbr.rel @p0 .LBB2_74-.Ltmp36, $3  }
0x2d1: {  	_ =	sdelay $0x1  }
0x2d2: {  	s8 =	sshra.s32 s7, $0x2;
	s7 =	sadd.s32 $0x200, s7;
	v0 =	vadd.f32 v1, v0  }
0x2d3: {  	v1 =	vld [tilespmem:s8+$0xA400]  }
0x2d4: {  	_ =	sdelay $0x3  }
0x2d5: {  	v0 =	vadd.f32 v1, v0;
	_ =	sdelay $0x1  }
0x2d6: {  	s8 =	simm.s32 $0x60;
	[tilespmem:$0x17950] =	vst v0  }
0x2d7: {  	s7 =	simm.s32 $0x380;
	v0 =	vimm.f32 $0.0e+00;
	v1 =	vld [tilespmem:s8+$0xA400]  }
.LBB2_76:
0x2d8: {  	p0 =	sne.s32 s7, $0x15F80  }
.Ltmp37:
0x2d9: {  	_ = 	snop;
	(pc) =	sbr.rel @p0 .LBB2_76-.Ltmp37, $3  }
0x2da: {  	_ =	sdelay $0x1  }
0x2db: {  	s8 =	sshra.s32 s7, $0x2;
	s7 =	sadd.s32 $0x200, s7;
	v0 =	vadd.f32 v1, v0  }
0x2dc: {  	v1 =	vld [tilespmem:s8+$0xA400]  }
0x2dd: {  	_ =	sdelay $0x3  }
0x2de: {  	v0 =	vadd.f32 v1, v0;
	_ =	sdelay $0x1  }
0x2df: {  	s8 =	simm.s32 $0x70;
	[tilespmem:$0x17960] =	vst v0  }
0x2e0: {  	s7 =	simm.s32 $0x3C0;
	v0 =	vimm.f32 $0.0e+00;
	v1 =	vld [tilespmem:s8+$0xA400]  }
.LBB2_78:
0x2e1: {  	p0 =	sne.s32 s7, $0x15FC0  }
.Ltmp38:
0x2e2: {  	_ = 	snop;
	(pc) =	sbr.rel @p0 .LBB2_78-.Ltmp38, $3  }
0x2e3: {  	_ =	sdelay $0x1  }
0x2e4: {  	s8 =	sshra.s32 s7, $0x2;
	s7 =	sadd.s32 $0x200, s7;
	v0 =	vadd.f32 v1, v0  }
0x2e5: {  	v1 =	vld [tilespmem:s8+$0xA400]  }
0x2e6: {  	_ =	sdelay $0x3  }
0x2e7: {  	v0 =	vadd.f32 v1, v0;
	_ =	sdelay $0x1  }
0x2e8: {  	[tilespmem:$0x17970] =	vst v0  }
0x2e9: {  	_ =	swait.ge [sflag:s18], $0x80  }
0x2ea: {  	s7 =	simm.s32 $0xAE;
	[sflag:s18] =	ssyncset.done $0x0  }
.LBB2_80:
0x2eb: {  	p0 =	sne.s32 s7, $0x1;
	s7 =	sadd.s32 $0xFFFFFFFF, s7;
	[sflag:s18] =	ssyncadd.s32 $0xFFFFFF80  }
.Ltmp39:
0x2ec: {  	(pc) =	sbr.rel @p0 .LBB2_80-.Ltmp39, $3  }
0x2ed: {  	_ =	sdelay $0x1  }
0x2ee: {  	_ =	swait.ge [sflag:s18], $0x80  }
0x2ef: {  	[sflag:s18] =	ssyncset.done $0x0  }
0x2f0: {  	[sflag:s18] =	ssyncadd.s32 $0xFFFFFF80;
	s7 =	simm.s32 $0x0;
	s8 =	rddreg [dreg:$0xf]  }
0x2f1: {  	[tilespmem:s7], [sflag:$0x3] =	stream.strided.gather [hbm4b:s8+s22], $0xA000, s23, s22, $0x38;
	[tilespmem:$0x17B80] =	vst v63  }
0x2f2: {  	s9 =	simm.s32 $0xA000;
	s8 =	sadd.s32 $0xA0000, s8  }
0x2f3: {  	[tilespmem:s9], [sflag:$0x3] =	stream.linear.gather [hbm4b:s8+s7], $0x280, $0x38;
	[tilespmem:$0x17B80] =	vst v63  }
0x2f4: {  	s10 =	rddreg [dreg:$0x10]  }
0x2f5: {  	[tilespmem:s25], [sflag:$0x3] =	stream.strided.gather [hbm4b:s10+s22], $0xC00, s23, s22, $0x38;
	[tilespmem:$0x17B80] =	vst v63  }
0x2f6: {  	s8 =	sadd.s32 $0xC000, s10  }
0x2f7: {  	[tilespmem:s26], [sflag:$0x3] =	stream.linear.gather [hbm4b:s8+s7], $0x100, $0x38;
	[tilespmem:$0x17B80] =	vst v63  }
0x2f8: {  	s11 =	rddreg [dreg:$0x11];
	s10 =	simm.s32 $0x16E80  }
0x2f9: {  	[tilespmem:s10], [sflag:$0x3] =	stream.linear.gather [hbm4b:s11+s7], $0x400, $0x38;
	[tilespmem:$0x17B80] =	vst v63  }
0x2fa: {  	s8 =	sadd.s32 $0x4000, s11;
	s11 =	simm.s32 $0x17280  }
0x2fb: {  	[tilespmem:s11], [sflag:$0x3] =	stream.linear.gather [hbm4b:s8+s7], $0x280, $0x38;
	[tilespmem:$0x17B80] =	vst v63  }
0x2fc: {  	_ =	swait.ge [sflag:s19], $0xA280  }
0x2fd: {  	[sflag:s19] =	ssyncset.done $0x0  }
0x2fe: {  	[sflag:s19] =	ssyncadd.s32 $0xFFFF5D80  }
0x2ff: {  	_ =	swait.ge [sflag:s19], $0xD00  }
0x300: {  	[sflag:s19] =	ssyncset.done $0x0  }
0x301: {  	[sflag:s19] =	ssyncadd.s32 $0xFFFFF300  }
0x302: {  	_ =	swait.ge [sflag:s19], $0x680  }
0x303: {  	[sflag:s19] =	ssyncset.done $0x0  }
0x304: {  	s8 =	simm.s32 $0x0;
	[sflag:s19] =	ssyncadd.s32 $0xFFFFF980  }
.LBB2_82:
0x305: {  	p0 =	sne.s32 s8, $0x15E00  }
.Ltmp40:
0x306: {  	_ = 	snop;
	(pc) =	sbr.rel @p0 .LBB2_82-.Ltmp40, $4  }
0x307: {  	_ = 	snop  }
0x308: {  	s9 =	sshra.s32 s8, $0x2  }
0x309: {  	s8 =	sadd.s32 $0x200, s8;
	s10 =	sadd.s32 $0xA400, s9  }
0x30a: {  	[tilespmem:s10], [sflag:$0x1] =	stream.indirect.gather [hbm4b:s5+s30], $0x1, s9, s30, $0xb8;
	[tilespmem:$0x17B80] =	vst v63  }
0x30b: {  	s8 =	simm.s32 $0xFC00  }
.LBB2_84:
0x30c: {  	v1 =	vmov s8;
	_ =	sdelay $0x2  }
0x30d: {  	s9 =	sshll.u32 s7, $0x4  }
0x30e: {  	s11 =	simm.s32 $0x0;
	v0 =	vld [tilespmem:s9+$0x17900]  }
0x30f: {  	s10 =	simm.s32 $0x200;
	v2 =	vld.idx.msk [tilespmem:v1+s11+$0x0 ss:$0x1], $0xffff  }
.LBB2_85:
0x310: {  	p0 =	seq.s32 s10, $0x12800  }
.Ltmp41:
0x311: {  	_ = 	snop;
	(pc) =	sbr.rel @!p0 .LBB2_85-.Ltmp41, $3  }
0x312: {  	_ =	sdelay $0x1  }
0x313: {  	s11 =	sshra.s32 s10, $0x2;
	s10 =	sadd.s32 $0x200, s10  }
0x314: {  	v0 =	vadd.f32 v2, v0;
	v2 =	vld.idx.msk [tilespmem:v1+s11+$0x0 ss:$0x1], $0xffff  }
0x315: {  	_ = 	snop  }
0x316: {  	v1 =	vld [tilespmem:s9+$0x15800];
	_ =	sdelay $0x1  }
0x317: {  	v7 =	vld [tilespmem:s9+$0x15880]  }
0x318: {  	v0 =	vadd.f32 v2, v0  }
0x319: {  	v3 =	vld [tilespmem:s9+$0x15900]  }
0x31a: {  	v0 =	vadd.f32 v1, v0  }
0x31b: {  	v8 =	vld [tilespmem:s9+$0x15980]  }
0x31c: {  	v0 =	vadd.f32 v7, v0  }
0x31d: {  	v9 =	vld [tilespmem:s9+$0x15A00]  }
0x31e: {  	v0 =	vadd.f32 v3, v0  }
0x31f: {  	v10 =	vld [tilespmem:s9+$0x15A80]  }
0x320: {  	v0 =	vadd.f32 v8, v0  }
0x321: {  	v11 =	vld [tilespmem:s9+$0x15B00]  }
0x322: {  	v0 =	vadd.f32 v9, v0  }
0x323: {  	v12 =	vld [tilespmem:s9+$0x15B80]  }
0x324: {  	v0 =	vadd.f32 v10, v0  }
0x325: {  	v13 =	vld [tilespmem:s9+$0x15C00]  }
0x326: {  	v0 =	vadd.f32 v11, v0  }
0x327: {  	v14 =	vld [tilespmem:s9+$0x15C80]  }
0x328: {  	v0 =	vadd.f32 v12, v0  }
0x329: {  	v15 =	vld [tilespmem:s9+$0x15D00]  }
0x32a: {  	v0 =	vadd.f32 v13, v0  }
0x32b: {  	v16 =	vld [tilespmem:s9+$0x15D80]  }
0x32c: {  	v0 =	vadd.f32 v14, v0  }
0x32d: {  	v17 =	vld [tilespmem:s9+$0x15E00]  }
0x32e: {  	v0 =	vadd.f32 v15, v0  }
0x32f: {  	v18 =	vld [tilespmem:s9+$0x15E80]  }
0x330: {  	v0 =	vadd.f32 v16, v0  }
0x331: {  	v19 =	vld [tilespmem:s9+$0x15F00]  }
0x332: {  	v0 =	vadd.f32 v17, v0  }
0x333: {  	v20 =	vld [tilespmem:s9+$0x15F80]  }
0x334: {  	v0 =	vadd.f32 v18, v0  }
0x335: {  	v21 =	vld [tilespmem:s9+$0x16000]  }
0x336: {  	v0 =	vadd.f32 v19, v0  }
0x337: {  	v22 =	vld [tilespmem:s9+$0x16080]  }
0x338: {  	v0 =	vadd.f32 v20, v0  }
0x339: {  	v23 =	vld [tilespmem:s9+$0x16100]  }
0x33a: {  	v0 =	vadd.f32 v21, v0  }
0x33b: {  	v24 =	vld [tilespmem:s9+$0x16180]  }
0x33c: {  	v0 =	vadd.f32 v22, v0  }
0x33d: {  	v25 =	vld [tilespmem:s9+$0x16200]  }
0x33e: {  	v0 =	vadd.f32 v23, v0  }
0x33f: {  	v26 =	vld [tilespmem:s9+$0x16280]  }
0x340: {  	v0 =	vadd.f32 v24, v0  }
0x341: {  	v27 =	vld [tilespmem:s9+$0x16300]  }
0x342: {  	v0 =	vadd.f32 v25, v0  }
0x343: {  	v28 =	vld [tilespmem:s9+$0x16380]  }
0x344: {  	v29 =	vld [tilespmem:s9+$0x16400];
	v0 =	vadd.f32 v26, v0  }
0x345: {  	v4 =	vld [tilespmem:s9+$0x16480]  }
0x346: {  	v30 =	vld [tilespmem:s9+$0x16800];
	v0 =	vadd.f32 v27, v0  }
0x347: {  	v5 =	vld [tilespmem:$0x17800]  }
0x348: {  	v31 =	vld [tilespmem:s9+$0x16880];
	v0 =	vadd.f32 v28, v0  }
0x349: {  	v6 =	vld [tilespmem:$0x17810]  }
0x34a: {  	v32 =	vld [tilespmem:s9+$0x16900];
	v0 =	vadd.f32 v29, v0  }
0x34b: {  	v7 =	vld [tilespmem:$0x17820]  }
0x34c: {  	v33 =	vld [tilespmem:s9+$0x16980];
	v2 =	vmul.f32 v5, v30;
	v0 =	vadd.f32 v4, v0  }
0x34d: {  	v34 =	vld [tilespmem:$0x17830]  }
0x34e: {  	v36 =	vld [tilespmem:s9+$0x16A00];
	v35 =	vmul.f32 v6, v31;
	v0 =	vadd.f32 v2, v0  }
0x34f: {  	v37 =	vld [tilespmem:$0x17840]  }
0x350: {  	v38 =	vld [tilespmem:s9+$0x16A80];
	v1 =	vmul.f32 v7, v32;
	v0 =	vadd.f32 v35, v0  }
0x351: {  	v39 =	vld [tilespmem:$0x17850]  }
0x352: {  	v41 =	vld [tilespmem:s9+$0x16B00];
	v40 =	vmul.f32 v34, v33;
	v0 =	vadd.f32 v1, v0  }
0x353: {  	v42 =	vld [tilespmem:$0x17860]  }
0x354: {  	v44 =	vld [tilespmem:s9+$0x16B80];
	v43 =	vmul.f32 v37, v36;
	v0 =	vadd.f32 v40, v0  }
0x355: {  	v45 =	vld [tilespmem:$0x17870]  }
0x356: {  	v47 =	vld [tilespmem:s9+$0x16C00];
	v46 =	vmul.f32 v39, v38;
	v0 =	vadd.f32 v43, v0  }
0x357: {  	v48 =	vld [tilespmem:$0x17880]  }
0x358: {  	v50 =	vld [tilespmem:s9+$0x16C80];
	v49 =	vmul.f32 v42, v41;
	v0 =	vadd.f32 v46, v0  }
0x359: {  	v51 =	vld [tilespmem:$0x17890]  }
0x35a: {  	v53 =	vld [tilespmem:s9+$0x16D00];
	v52 =	vmul.f32 v45, v44;
	v0 =	vadd.f32 v49, v0  }
0x35b: {  	v54 =	vld [tilespmem:$0x178A0]  }
0x35c: {  	v56 =	vld [tilespmem:s9+$0x16D80];
	v55 =	vmul.f32 v48, v47;
	v0 =	vadd.f32 v52, v0  }
0x35d: {  	v57 =	vld [tilespmem:$0x178B0]  }
0x35e: {  	v59 =	vld [tilespmem:s9+$0x16E00];
	v58 =	vmul.f32 v51, v50;
	v0 =	vadd.f32 v55, v0  }
0x35f: {  	v60 =	vld [tilespmem:$0x178C0]  }
0x360: {  	v61 =	vmul.f32 v54, v53;
	v0 =	vadd.f32 v58, v0;
	_ =	sdelay $0x1  }
0x361: {  	v62 =	vmul.f32 v57, v56;
	v0 =	vadd.f32 v61, v0;
	_ =	sdelay $0x1  }
0x362: {  	v63 =	vmul.f32 v60, v59;
	v0 =	vadd.f32 v62, v0;
	_ =	sdelay $0x1  }
0x363: {  	v0 =	vadd.f32 v63, v0;
	_ =	sdelay $0x1  }
0x364: {  	v0 =	vsub.f32 $0.0e+00, v0;
	_ =	sdelay $0x1  }
0x365: {  	v0 =	vmul.f32 $1.442695020e+00, v0;
	_ =	sdelay $0x1  }
0x366: {  	(erf) = vpow2.f32 v0;
	_ =	sdelay $0x8  }
0x367: {  	v0 =	vpop (erf)  }
0x368: {  	v0 =	vadd.f32 $1.000000000e+00, v0;
	_ =	sdelay $0x1  }
0x369: {  	(erf) = vrcp.f32 v0;
	_ =	sdelay $0x3  }
0x36a: {  	s7 =	sadd.s32 $0x1, s7  }
0x36b: {  	p0 =	seq.s32 s7, $0x8  }
.Ltmp42:
0x36c: {  	_ = 	snop;
	(pc) =	sbr.rel @!p0 .LBB2_84-.Ltmp42, $3  }
0x36d: {  	_ =	sdelay $0x1  }
0x36e: {  	v0 =	vpop (erf)  }
0x36f: {  	s8 =	sadd.s32 $0x10, s8;
	[tilespmem:s9+$0x17A80] =	vst v0  }
0x370: {  	s7 =	simm.s32 $0x200;
	s8 =	simm.s32 $0xFC00;
	s9 =	simm.s32 $0x5800  }
.LBB2_88:
0x371: {  	[tilespmem:s8], [sflag:$0x2] =	stream.indirect.gather [hbm4b:s5+s30], $0x1, s9, s30, $0xb8;
	[tilespmem:$0x17B80] =	vst v63  }
0x372: {  	s8 =	smov.u32 s7;
	p0 =	sne.s32 s7, $0x12800  }
.Ltmp43:
0x373: {  	s7 =	sadd.s32 $0x200, s7;
	(pc) =	sbr.rel @p0 .LBB2_88-.Ltmp43, $3  }
0x374: {  	_ =	sdelay $0x1  }
0x375: {  	s9 =	sshra.s32 s8, $0x2  }
0x376: {  	s8 =	sadd.s32 $0xFC00, s9;
	s9 =	sadd.s32 $0x5800, s9  }
0x377: {  	[tilespmem:s8], [sflag:$0x2] =	stream.indirect.gather [hbm4b:s5+s30], $0x1, s9, s30, $0xb8;
	[tilespmem:$0x17B80] =	vst v63  }
0x378: {  	s7 =	simm.s32 $0x15800  }
0x379: {  	[tilespmem:s7], [sflag:$0x2] =	stream.indirect.gather [hbm4b:s4+s30], $0x1, s25, s30, $0xb8;
	[tilespmem:$0x17B80] =	vst v63  }
0x37a: {  	s8 =	simm.s32 $0x14880;
	s9 =	simm.s32 $0x15880  }
0x37b: {  	[tilespmem:s9], [sflag:$0x2] =	stream.indirect.gather [hbm4b:s4+s30], $0x1, s8, s30, $0xb8;
	[tilespmem:$0x17B80] =	vst v63  }
0x37c: {  	s10 =	simm.s32 $0x14900;
	s11 =	simm.s32 $0x15900  }
0x37d: {  	[tilespmem:s11], [sflag:$0x2] =	stream.indirect.gather [hbm4b:s4+s30], $0x1, s10, s30, $0xb8;
	[tilespmem:$0x17B80] =	vst v63  }
0x37e: {  	s8 =	simm.s32 $0x14980;
	s9 =	simm.s32 $0x15980  }
0x37f: {  	[tilespmem:s9], [sflag:$0x2] =	stream.indirect.gather [hbm4b:s4+s30], $0x1, s8, s30, $0xb8;
	[tilespmem:$0x17B80] =	vst v63  }
0x380: {  	s10 =	simm.s32 $0x14A00;
	s11 =	simm.s32 $0x15A00  }
0x381: {  	[tilespmem:s11], [sflag:$0x2] =	stream.indirect.gather [hbm4b:s4+s30], $0x1, s10, s30, $0xb8;
	[tilespmem:$0x17B80] =	vst v63  }
0x382: {  	s8 =	simm.s32 $0x14A80;
	s9 =	simm.s32 $0x15A80  }
0x383: {  	[tilespmem:s9], [sflag:$0x2] =	stream.indirect.gather [hbm4b:s4+s30], $0x1, s8, s30, $0xb8;
	[tilespmem:$0x17B80] =	vst v63  }
0x384: {  	s10 =	simm.s32 $0x14B00;
	s11 =	simm.s32 $0x15B00  }
0x385: {  	[tilespmem:s11], [sflag:$0x2] =	stream.indirect.gather [hbm4b:s4+s30], $0x1, s10, s30, $0xb8;
	[tilespmem:$0x17B80] =	vst v63  }
0x386: {  	s8 =	simm.s32 $0x14B80;
	s9 =	simm.s32 $0x15B80  }
0x387: {  	[tilespmem:s9], [sflag:$0x2] =	stream.indirect.gather [hbm4b:s4+s30], $0x1, s8, s30, $0xb8;
	[tilespmem:$0x17B80] =	vst v63  }
0x388: {  	s10 =	simm.s32 $0x14C00;
	s11 =	simm.s32 $0x15C00  }
0x389: {  	[tilespmem:s11], [sflag:$0x2] =	stream.indirect.gather [hbm4b:s4+s30], $0x1, s10, s30, $0xb8;
	[tilespmem:$0x17B80] =	vst v63  }
0x38a: {  	s8 =	simm.s32 $0x14C80;
	s9 =	simm.s32 $0x15C80  }
0x38b: {  	[tilespmem:s9], [sflag:$0x2] =	stream.indirect.gather [hbm4b:s4+s30], $0x1, s8, s30, $0xb8;
	[tilespmem:$0x17B80] =	vst v63  }
0x38c: {  	s10 =	simm.s32 $0x14D00;
	s11 =	simm.s32 $0x15D00  }
0x38d: {  	[tilespmem:s11], [sflag:$0x2] =	stream.indirect.gather [hbm4b:s4+s30], $0x1, s10, s30, $0xb8;
	[tilespmem:$0x17B80] =	vst v63  }
0x38e: {  	s8 =	simm.s32 $0x14D80;
	s9 =	simm.s32 $0x15D80  }
0x38f: {  	[tilespmem:s9], [sflag:$0x2] =	stream.indirect.gather [hbm4b:s4+s30], $0x1, s8, s30, $0xb8;
	[tilespmem:$0x17B80] =	vst v63  }
0x390: {  	s10 =	simm.s32 $0x14E00;
	s11 =	simm.s32 $0x15E00  }
0x391: {  	[tilespmem:s11], [sflag:$0x2] =	stream.indirect.gather [hbm4b:s4+s30], $0x1, s10, s30, $0xb8;
	[tilespmem:$0x17B80] =	vst v63  }
0x392: {  	s8 =	simm.s32 $0x14E80;
	s9 =	simm.s32 $0x15E80  }
0x393: {  	[tilespmem:s9], [sflag:$0x2] =	stream.indirect.gather [hbm4b:s4+s30], $0x1, s8, s30, $0xb8;
	[tilespmem:$0x17B80] =	vst v63  }
0x394: {  	s10 =	simm.s32 $0x14F00;
	s11 =	simm.s32 $0x15F00  }
0x395: {  	[tilespmem:s11], [sflag:$0x2] =	stream.indirect.gather [hbm4b:s4+s30], $0x1, s10, s30, $0xb8;
	[tilespmem:$0x17B80] =	vst v63  }
0x396: {  	s8 =	simm.s32 $0x14F80;
	s9 =	simm.s32 $0x15F80  }
0x397: {  	[tilespmem:s9], [sflag:$0x2] =	stream.indirect.gather [hbm4b:s4+s30], $0x1, s8, s30, $0xb8;
	[tilespmem:$0x17B80] =	vst v63  }
0x398: {  	s10 =	simm.s32 $0x15000;
	s11 =	simm.s32 $0x16000  }
0x399: {  	[tilespmem:s11], [sflag:$0x2] =	stream.indirect.gather [hbm4b:s4+s30], $0x1, s10, s30, $0xb8;
	[tilespmem:$0x17B80] =	vst v63  }
0x39a: {  	s8 =	simm.s32 $0x15080;
	s9 =	simm.s32 $0x16080  }
0x39b: {  	[tilespmem:s9], [sflag:$0x2] =	stream.indirect.gather [hbm4b:s4+s30], $0x1, s8, s30, $0xb8;
	[tilespmem:$0x17B80] =	vst v63  }
0x39c: {  	s10 =	simm.s32 $0x15100;
	s11 =	simm.s32 $0x16100  }
0x39d: {  	[tilespmem:s11], [sflag:$0x2] =	stream.indirect.gather [hbm4b:s4+s30], $0x1, s10, s30, $0xb8;
	[tilespmem:$0x17B80] =	vst v63  }
0x39e: {  	_ = 	snop  }
0x39f: {  	[tilespmem:s24], [sflag:$0x2] =	stream.indirect.gather [hbm4b:s4+s30], $0x1, s12, s30, $0xb8;
	[tilespmem:$0x17B80] =	vst v63  }
0x3a0: {  	_ = 	snop  }
0x3a1: {  	[tilespmem:s14], [sflag:$0x2] =	stream.indirect.gather [hbm4b:s4+s30], $0x1, s13, s30, $0xb8;
	[tilespmem:$0x17B80] =	vst v63  }
0x3a2: {  	_ = 	snop  }
0x3a3: {  	[tilespmem:s16], [sflag:$0x2] =	stream.indirect.gather [hbm4b:s4+s30], $0x1, s15, s30, $0xb8;
	[tilespmem:$0x17B80] =	vst v63  }
0x3a4: {  	_ = 	snop  }
0x3a5: {  	[tilespmem:s31], [sflag:$0x2] =	stream.indirect.gather [hbm4b:s4+s30], $0x1, s17, s30, $0xb8;
	[tilespmem:$0x17B80] =	vst v63  }
0x3a6: {  	_ = 	snop  }
0x3a7: {  	[tilespmem:s2], [sflag:$0x2] =	stream.indirect.gather [hbm4b:s4+s30], $0x1, s0, s30, $0xb8;
	[tilespmem:$0x17B80] =	vst v63  }
0x3a8: {  	_ = 	snop  }
0x3a9: {  	[tilespmem:s20], [sflag:$0x2] =	stream.indirect.gather [hbm4b:s4+s30], $0x1, s26, s30, $0xb8;
	[tilespmem:$0x17B80] =	vst v63  }
0x3aa: {  	s7 =	simm.s32 $0xB0  }
0x3ab: {  	[tilespmem:s28], [sflag:$0x2] =	stream.indirect.gather [hbm4b:s4+s30], $0x1, s1, s30, $0xb8;
	[tilespmem:$0x17B80] =	vst v63  }
.LBB2_90:
0x3ac: {  	p0 =	sne.s32 s7, $0x1  }
.Ltmp44:
0x3ad: {  	_ = 	snop;
	(pc) =	sbr.rel @p0 .LBB2_90-.Ltmp44, $4  }
0x3ae: {  	_ = 	snop  }
0x3af: {  	_ =	swait.ge [sflag:s29], $0x80  }
0x3b0: {  	[sflag:s29] =	ssyncset.done $0x0  }
0x3b1: {  	s7 =	sadd.s32 $0xFFFFFFFF, s7;
	[sflag:s29] =	ssyncadd.s32 $0xFFFFFF80  }
0x3b2: {  	s8 =	simm.s32 $0x0  }
0x3b3: {  	v0 =	vimm.f32 $0.0e+00;
	s7 =	simm.s32 $0x200;
	v1 =	vld [tilespmem:s8+$0xA400]  }
.LBB2_92:
0x3b4: {  	p0 =	sne.s32 s7, $0x15E00  }
.Ltmp45:
0x3b5: {  	_ = 	snop;
	(pc) =	sbr.rel @p0 .LBB2_92-.Ltmp45, $3  }
0x3b6: {  	_ =	sdelay $0x1  }
0x3b7: {  	s8 =	sshra.s32 s7, $0x2;
	s7 =	sadd.s32 $0x200, s7;
	v0 =	vadd.f32 v1, v0  }
0x3b8: {  	v1 =	vld [tilespmem:s8+$0xA400]  }
0x3b9: {  	_ =	sdelay $0x3  }
0x3ba: {  	v0 =	vadd.f32 v1, v0;
	_ =	sdelay $0x1  }
0x3bb: {  	s8 =	simm.s32 $0x10;
	[tilespmem:$0x17900] =	vst v0  }
0x3bc: {  	s7 =	simm.s32 $0x240;
	v0 =	vimm.f32 $0.0e+00;
	v1 =	vld [tilespmem:s8+$0xA400]  }
.LBB2_94:
0x3bd: {  	p0 =	sne.s32 s7, $0x15E40  }
.Ltmp46:
0x3be: {  	_ = 	snop;
	(pc) =	sbr.rel @p0 .LBB2_94-.Ltmp46, $3  }
0x3bf: {  	_ =	sdelay $0x1  }
0x3c0: {  	s8 =	sshra.s32 s7, $0x2;
	s7 =	sadd.s32 $0x200, s7;
	v0 =	vadd.f32 v1, v0  }
0x3c1: {  	v1 =	vld [tilespmem:s8+$0xA400]  }
0x3c2: {  	_ =	sdelay $0x3  }
0x3c3: {  	v0 =	vadd.f32 v1, v0;
	_ =	sdelay $0x1  }
0x3c4: {  	s8 =	simm.s32 $0x20;
	[tilespmem:$0x17910] =	vst v0  }
0x3c5: {  	s7 =	simm.s32 $0x280;
	v0 =	vimm.f32 $0.0e+00;
	v1 =	vld [tilespmem:s8+$0xA400]  }
.LBB2_96:
0x3c6: {  	p0 =	sne.s32 s7, $0x15E80  }
.Ltmp47:
0x3c7: {  	_ = 	snop;
	(pc) =	sbr.rel @p0 .LBB2_96-.Ltmp47, $3  }
0x3c8: {  	_ =	sdelay $0x1  }
0x3c9: {  	s8 =	sshra.s32 s7, $0x2;
	s7 =	sadd.s32 $0x200, s7;
	v0 =	vadd.f32 v1, v0  }
0x3ca: {  	v1 =	vld [tilespmem:s8+$0xA400]  }
0x3cb: {  	_ =	sdelay $0x3  }
0x3cc: {  	v0 =	vadd.f32 v1, v0;
	_ =	sdelay $0x1  }
0x3cd: {  	s8 =	simm.s32 $0x30;
	[tilespmem:$0x17920] =	vst v0  }
0x3ce: {  	s7 =	simm.s32 $0x2C0;
	v0 =	vimm.f32 $0.0e+00;
	v1 =	vld [tilespmem:s8+$0xA400]  }
.LBB2_98:
0x3cf: {  	p0 =	sne.s32 s7, $0x15EC0  }
.Ltmp48:
0x3d0: {  	_ = 	snop;
	(pc) =	sbr.rel @p0 .LBB2_98-.Ltmp48, $3  }
0x3d1: {  	_ =	sdelay $0x1  }
0x3d2: {  	s8 =	sshra.s32 s7, $0x2;
	s7 =	sadd.s32 $0x200, s7;
	v0 =	vadd.f32 v1, v0  }
0x3d3: {  	v1 =	vld [tilespmem:s8+$0xA400]  }
0x3d4: {  	_ =	sdelay $0x3  }
0x3d5: {  	v0 =	vadd.f32 v1, v0;
	_ =	sdelay $0x1  }
0x3d6: {  	s8 =	simm.s32 $0x40;
	[tilespmem:$0x17930] =	vst v0  }
0x3d7: {  	s7 =	simm.s32 $0x300;
	v0 =	vimm.f32 $0.0e+00;
	v1 =	vld [tilespmem:s8+$0xA400]  }
.LBB2_100:
0x3d8: {  	p0 =	sne.s32 s7, $0x15F00  }
.Ltmp49:
0x3d9: {  	_ = 	snop;
	(pc) =	sbr.rel @p0 .LBB2_100-.Ltmp49, $3  }
0x3da: {  	_ =	sdelay $0x1  }
0x3db: {  	s8 =	sshra.s32 s7, $0x2;
	s7 =	sadd.s32 $0x200, s7;
	v0 =	vadd.f32 v1, v0  }
0x3dc: {  	v1 =	vld [tilespmem:s8+$0xA400]  }
0x3dd: {  	_ =	sdelay $0x3  }
0x3de: {  	v0 =	vadd.f32 v1, v0;
	_ =	sdelay $0x1  }
0x3df: {  	s8 =	simm.s32 $0x50;
	[tilespmem:$0x17940] =	vst v0  }
0x3e0: {  	s7 =	simm.s32 $0x340;
	v0 =	vimm.f32 $0.0e+00;
	v1 =	vld [tilespmem:s8+$0xA400]  }
.LBB2_102:
0x3e1: {  	p0 =	sne.s32 s7, $0x15F40  }
.Ltmp50:
0x3e2: {  	_ = 	snop;
	(pc) =	sbr.rel @p0 .LBB2_102-.Ltmp50, $3  }
0x3e3: {  	_ =	sdelay $0x1  }
0x3e4: {  	s8 =	sshra.s32 s7, $0x2;
	s7 =	sadd.s32 $0x200, s7;
	v0 =	vadd.f32 v1, v0  }
0x3e5: {  	v1 =	vld [tilespmem:s8+$0xA400]  }
0x3e6: {  	_ =	sdelay $0x3  }
0x3e7: {  	v0 =	vadd.f32 v1, v0;
	_ =	sdelay $0x1  }
0x3e8: {  	s8 =	simm.s32 $0x60;
	[tilespmem:$0x17950] =	vst v0  }
0x3e9: {  	s7 =	simm.s32 $0x380;
	v0 =	vimm.f32 $0.0e+00;
	v1 =	vld [tilespmem:s8+$0xA400]  }
.LBB2_104:
0x3ea: {  	p0 =	sne.s32 s7, $0x15F80  }
.Ltmp51:
0x3eb: {  	_ = 	snop;
	(pc) =	sbr.rel @p0 .LBB2_104-.Ltmp51, $3  }
0x3ec: {  	_ =	sdelay $0x1  }
0x3ed: {  	s8 =	sshra.s32 s7, $0x2;
	s7 =	sadd.s32 $0x200, s7;
	v0 =	vadd.f32 v1, v0  }
0x3ee: {  	v1 =	vld [tilespmem:s8+$0xA400]  }
0x3ef: {  	_ =	sdelay $0x3  }
0x3f0: {  	v0 =	vadd.f32 v1, v0;
	_ =	sdelay $0x1  }
0x3f1: {  	s8 =	simm.s32 $0x70;
	[tilespmem:$0x17960] =	vst v0  }
0x3f2: {  	s7 =	simm.s32 $0x3C0;
	v0 =	vimm.f32 $0.0e+00;
	v1 =	vld [tilespmem:s8+$0xA400]  }
.LBB2_106:
0x3f3: {  	p0 =	sne.s32 s7, $0x15FC0  }
.Ltmp52:
0x3f4: {  	_ = 	snop;
	(pc) =	sbr.rel @p0 .LBB2_106-.Ltmp52, $3  }
0x3f5: {  	_ =	sdelay $0x1  }
0x3f6: {  	s8 =	sshra.s32 s7, $0x2;
	s7 =	sadd.s32 $0x200, s7;
	v0 =	vadd.f32 v1, v0  }
0x3f7: {  	v1 =	vld [tilespmem:s8+$0xA400]  }
0x3f8: {  	_ =	sdelay $0x3  }
0x3f9: {  	v0 =	vadd.f32 v1, v0;
	_ =	sdelay $0x1  }
0x3fa: {  	s7 =	simm.s32 $0xAF;
	[tilespmem:$0x17970] =	vst v0  }
.LBB2_108:
0x3fb: {  	p0 =	sne.s32 s7, $0x1  }
.Ltmp53:
0x3fc: {  	_ = 	snop;
	(pc) =	sbr.rel @p0 .LBB2_108-.Ltmp53, $4  }
0x3fd: {  	_ = 	snop  }
0x3fe: {  	_ =	swait.ge [sflag:s18], $0x80  }
0x3ff: {  	[sflag:s18] =	ssyncset.done $0x0  }
0x400: {  	s7 =	sadd.s32 $0xFFFFFFFF, s7;
	[sflag:s18] =	ssyncadd.s32 $0xFFFFFF80  }
0x401: {  	s7 =	simm.s32 $0x0;
	s8 =	simm.s32 $0xFC00  }
.LBB2_110:
0x402: {  	v1 =	vmov s8;
	_ =	sdelay $0x2  }
0x403: {  	s9 =	sshll.u32 s7, $0x4  }
0x404: {  	s11 =	simm.s32 $0x0;
	v0 =	vld [tilespmem:s9+$0x17900]  }
0x405: {  	s10 =	simm.s32 $0x200;
	v2 =	vld.idx.msk [tilespmem:v1+s11+$0x0 ss:$0x1], $0xffff  }
.LBB2_111:
0x406: {  	p0 =	seq.s32 s10, $0x12800  }
.Ltmp54:
0x407: {  	_ = 	snop;
	(pc) =	sbr.rel @!p0 .LBB2_111-.Ltmp54, $3  }
0x408: {  	_ =	sdelay $0x1  }
0x409: {  	s11 =	sshra.s32 s10, $0x2;
	s10 =	sadd.s32 $0x200, s10  }
0x40a: {  	v0 =	vadd.f32 v2, v0;
	v2 =	vld.idx.msk [tilespmem:v1+s11+$0x0 ss:$0x1], $0xffff  }
0x40b: {  	_ = 	snop  }
0x40c: {  	v1 =	vld [tilespmem:s9+$0x15800];
	_ =	sdelay $0x1  }
0x40d: {  	v7 =	vld [tilespmem:s9+$0x15880]  }
0x40e: {  	v0 =	vadd.f32 v2, v0  }
0x40f: {  	v3 =	vld [tilespmem:s9+$0x15900]  }
0x410: {  	v0 =	vadd.f32 v1, v0  }
0x411: {  	v8 =	vld [tilespmem:s9+$0x15980]  }
0x412: {  	v0 =	vadd.f32 v7, v0  }
0x413: {  	v9 =	vld [tilespmem:s9+$0x15A00]  }
0x414: {  	v0 =	vadd.f32 v3, v0  }
0x415: {  	v10 =	vld [tilespmem:s9+$0x15A80]  }
0x416: {  	v0 =	vadd.f32 v8, v0  }
0x417: {  	v11 =	vld [tilespmem:s9+$0x15B00]  }
0x418: {  	v0 =	vadd.f32 v9, v0  }
0x419: {  	v12 =	vld [tilespmem:s9+$0x15B80]  }
0x41a: {  	v0 =	vadd.f32 v10, v0  }
0x41b: {  	v13 =	vld [tilespmem:s9+$0x15C00]  }
0x41c: {  	v0 =	vadd.f32 v11, v0  }
0x41d: {  	v14 =	vld [tilespmem:s9+$0x15C80]  }
0x41e: {  	v0 =	vadd.f32 v12, v0  }
0x41f: {  	v15 =	vld [tilespmem:s9+$0x15D00]  }
0x420: {  	v0 =	vadd.f32 v13, v0  }
0x421: {  	v16 =	vld [tilespmem:s9+$0x15D80]  }
0x422: {  	v0 =	vadd.f32 v14, v0  }
0x423: {  	v17 =	vld [tilespmem:s9+$0x15E00]  }
0x424: {  	v0 =	vadd.f32 v15, v0  }
0x425: {  	v18 =	vld [tilespmem:s9+$0x15E80]  }
0x426: {  	v0 =	vadd.f32 v16, v0  }
0x427: {  	v19 =	vld [tilespmem:s9+$0x15F00]  }
0x428: {  	v0 =	vadd.f32 v17, v0  }
0x429: {  	v20 =	vld [tilespmem:s9+$0x15F80]  }
0x42a: {  	v0 =	vadd.f32 v18, v0  }
0x42b: {  	v21 =	vld [tilespmem:s9+$0x16000]  }
0x42c: {  	v0 =	vadd.f32 v19, v0  }
0x42d: {  	v22 =	vld [tilespmem:s9+$0x16080]  }
0x42e: {  	v0 =	vadd.f32 v20, v0  }
0x42f: {  	v23 =	vld [tilespmem:s9+$0x16100]  }
0x430: {  	v0 =	vadd.f32 v21, v0  }
0x431: {  	v24 =	vld [tilespmem:s9+$0x16180]  }
0x432: {  	v0 =	vadd.f32 v22, v0  }
0x433: {  	v25 =	vld [tilespmem:s9+$0x16200]  }
0x434: {  	v0 =	vadd.f32 v23, v0  }
0x435: {  	v26 =	vld [tilespmem:s9+$0x16280]  }
0x436: {  	v0 =	vadd.f32 v24, v0  }
0x437: {  	v27 =	vld [tilespmem:s9+$0x16300]  }
0x438: {  	v0 =	vadd.f32 v25, v0  }
0x439: {  	v28 =	vld [tilespmem:s9+$0x16380]  }
0x43a: {  	v29 =	vld [tilespmem:s9+$0x16400];
	v0 =	vadd.f32 v26, v0  }
0x43b: {  	v4 =	vld [tilespmem:s9+$0x16480]  }
0x43c: {  	v30 =	vld [tilespmem:s9+$0x16E80];
	v0 =	vadd.f32 v27, v0  }
0x43d: {  	v5 =	vld [tilespmem:$0x17800]  }
0x43e: {  	v31 =	vld [tilespmem:s9+$0x16F00];
	v0 =	vadd.f32 v28, v0  }
0x43f: {  	v6 =	vld [tilespmem:$0x17810]  }
0x440: {  	v32 =	vld [tilespmem:s9+$0x16F80];
	v0 =	vadd.f32 v29, v0  }
0x441: {  	v7 =	vld [tilespmem:$0x17820]  }
0x442: {  	v33 =	vld [tilespmem:s9+$0x17000];
	v2 =	vmul.f32 v5, v30;
	v0 =	vadd.f32 v4, v0  }
0x443: {  	v34 =	vld [tilespmem:$0x17830]  }
0x444: {  	v36 =	vld [tilespmem:s9+$0x17080];
	v35 =	vmul.f32 v6, v31;
	v0 =	vadd.f32 v2, v0  }
0x445: {  	v37 =	vld [tilespmem:$0x17840]  }
0x446: {  	v38 =	vld [tilespmem:s9+$0x17100];
	v1 =	vmul.f32 v7, v32;
	v0 =	vadd.f32 v35, v0  }
0x447: {  	v39 =	vld [tilespmem:$0x17850]  }
0x448: {  	v41 =	vld [tilespmem:s9+$0x17180];
	v40 =	vmul.f32 v34, v33;
	v0 =	vadd.f32 v1, v0  }
0x449: {  	v42 =	vld [tilespmem:$0x17860]  }
0x44a: {  	v44 =	vld [tilespmem:s9+$0x17200];
	v43 =	vmul.f32 v37, v36;
	v0 =	vadd.f32 v40, v0  }
0x44b: {  	v45 =	vld [tilespmem:$0x17870]  }
0x44c: {  	v47 =	vld [tilespmem:s9+$0x17280];
	v46 =	vmul.f32 v39, v38;
	v0 =	vadd.f32 v43, v0  }
0x44d: {  	v48 =	vld [tilespmem:$0x17880]  }
0x44e: {  	v50 =	vld [tilespmem:s9+$0x17300];
	v49 =	vmul.f32 v42, v41;
	v0 =	vadd.f32 v46, v0  }
0x44f: {  	v51 =	vld [tilespmem:$0x17890]  }
0x450: {  	v53 =	vld [tilespmem:s9+$0x17380];
	v52 =	vmul.f32 v45, v44;
	v0 =	vadd.f32 v49, v0  }
0x451: {  	v54 =	vld [tilespmem:$0x178A0]  }
0x452: {  	v56 =	vld [tilespmem:s9+$0x17400];
	v55 =	vmul.f32 v48, v47;
	v0 =	vadd.f32 v52, v0  }
0x453: {  	v57 =	vld [tilespmem:$0x178B0]  }
0x454: {  	v59 =	vld [tilespmem:s9+$0x17480];
	v58 =	vmul.f32 v51, v50;
	v0 =	vadd.f32 v55, v0  }
0x455: {  	v60 =	vld [tilespmem:$0x178C0]  }
0x456: {  	v61 =	vmul.f32 v54, v53;
	v0 =	vadd.f32 v58, v0;
	_ =	sdelay $0x1  }
0x457: {  	v62 =	vmul.f32 v57, v56;
	v0 =	vadd.f32 v61, v0;
	_ =	sdelay $0x1  }
0x458: {  	v63 =	vmul.f32 v60, v59;
	v0 =	vadd.f32 v62, v0;
	_ =	sdelay $0x1  }
0x459: {  	v0 =	vadd.f32 v63, v0;
	_ =	sdelay $0x1  }
0x45a: {  	v0 =	vsub.f32 $0.0e+00, v0;
	_ =	sdelay $0x1  }
0x45b: {  	v0 =	vmul.f32 $1.442695020e+00, v0;
	_ =	sdelay $0x1  }
0x45c: {  	(erf) = vpow2.f32 v0;
	_ =	sdelay $0x8  }
0x45d: {  	v0 =	vpop (erf)  }
0x45e: {  	v0 =	vadd.f32 $1.000000000e+00, v0;
	_ =	sdelay $0x1  }
0x45f: {  	(erf) = vrcp.f32 v0;
	_ =	sdelay $0x3  }
0x460: {  	s7 =	sadd.s32 $0x1, s7  }
0x461: {  	p0 =	seq.s32 s7, $0x8  }
.Ltmp55:
0x462: {  	_ = 	snop;
	(pc) =	sbr.rel @!p0 .LBB2_110-.Ltmp55, $3  }
0x463: {  	_ =	sdelay $0x1  }
0x464: {  	v0 =	vpop (erf)  }
0x465: {  	s8 =	sadd.s32 $0x10, s8;
	[tilespmem:s9+$0x17B00] =	vst v0  }
0x466: {  	s7 =	rddreg [dreg:$0x12];
	s8 =	simm.s32 $0x17980  }
0x467: {  	[hbm4b:s7+s3] =	stream.linear.scatter [tilespmem:s8], [sflag:$0x4], $0x200, $0x38;
	[tilespmem:$0x17B80] =	vst v63  }
0x468: {  	_ =	swait.ge [sflag:s21], $0x200  }
0x469: {  	s6 =	sadd.s32 $0x1, s6;
	s11 =	rddreg [dreg:$0x13]  }
0x46a: {  	p0 =	sne.s32 s6, s11  }
.Ltmp56:
0x46b: {  	_ = 	snop;
	(pc) =	sbr.rel @p0 .LBB2_1-.Ltmp56, $3  }
0x46c: {  	_ =	sdelay $0x1  }
0x46d: {  	[sflag:s21] =	ssyncset.done $0x0  }
0x46e: {  	[sflag:s21] =	ssyncadd.s32 $0xFFFFFE00  }
0x46f: {  	_ =	sfence.sel $0x180000  }
0x470: {  	[bflag:$0x0] =	sbarrier.arrive $0xFFFF  }
0x471: {  	_ =	strace $0x90000047  }
0x472: {  	s0 =	stileid.u32;
	[bflag:$0x2] =	sbarrier.arrive $0xFFFF  }
0x473: {  	p0 =	sne.s32 s0, $0x0;
	s0 =	rddreg [dreg:$0x5]  }
0x474: {  	s0 =	sadd.s32 @!p0 $0x100000, s0  }
0x475: {  	[sflag:s0] =	ssyncadd.tile.s32 @!p0 $0x1;
	_ =	shalt  }
.Lfunc_end2:
_tile_overlayer_lowered:
.L_overlay_start_2:
0x476: {  	(tag) =	ssettag $0x2  }
0x477: {  	s0 =	rddreg [dreg:$0x0];
	s2 =	stileid.u32  }
0x478: {  	s1 =	rddreg [dreg:$0x1];
	p0 =	sne.s32 s2, $0x0  }
0x479: {  	s3 =	rddreg [dreg:$0x2];
	[bflag:$0x3] =	sbarrier.arrive $0xFFFF;
	s2 =	simm.s32 @!p0 $0x1C04  }
0x47a: {  	[timem:s3], [sflag:s2] =	dma.local @!p0 [hbm:s0], s1  }
0x47b: {  	s0 =	simm.s32 @!p0 $0x4  }
0x47c: {  	_ =	swait.ge @!p0 [sflag:s0], s1  }
0x47d: {  	s1 =	ssub.s32 @!p0 $0x0, s1;
	[sflag:s0] =	ssyncset.done @!p0 $0x0  }
0x47e: {  	[sflag:s0] =	ssyncadd.s32 @!p0 s1  }
0x47f: {  	[bflag:$0x3] =	sbarrier.arrive $0xFFFF  }
0x480: {  	_ =	shalt  }

</sc_bundles>
